<compile_context>
chip_gen: v7x
topology: tpu7x:2x2x1
jax: 0.10.2.dev20260603
libtpu: 0.0.44.dev20260713+nightly
codegen_flags: <defaults>
</compile_context>

<pallas_src>
import functools

import jax
import jax.numpy as jnp
from jax import lax
from jax.experimental import pallas as pl
from jax.experimental.pallas import tpu as pltpu
from jax.experimental.pallas import tpu_sc as plsc

B = 10
N_PER = 10000
K = 100
D = 128

_SC_CORES = 2
_SC_SUBCORES = 16
_NW = _SC_CORES * _SC_SUBCORES
_GATHER_ROWS = 1024
_ROWS_PER_W = _GATHER_ROWS // _NW


def _rowmax_body(x_ref, o_ref):
    m = jnp.max(x_ref[...], axis=1)
    o_ref[...] = m.reshape(1, 1, N_PER)


def _rowmax(feat):
    return pl.pallas_call(
        _rowmax_body,
        grid=(B,),
        in_specs=[pl.BlockSpec((N_PER, D), lambda g: (g, 0))],
        out_specs=pl.BlockSpec((1, 1, N_PER), lambda g: (g, 0, 0)),
        out_shape=jax.ShapeDtypeStruct((B, 1, N_PER), jnp.float32),
    )(feat)


def _topk_body(keys_ref, idx_ref):
    keys = keys_ref[...]
    lane = lax.broadcasted_iota(jnp.int32, (B, N_PER), 1)
    lane128 = lax.broadcasted_iota(jnp.int32, (B, 128), 1)

    def body(t, carry):
        kc, acc = carry
        m = jnp.max(kc, axis=1, keepdims=True)
        idx = jnp.min(
            jnp.where(kc == m, lane, jnp.int32(1 << 30)), axis=1, keepdims=True
        )
        acc = jnp.where(lane128 == t, idx, acc)
        kc = jnp.where(lane == idx, jnp.float32(-jnp.inf), kc)
        return kc, acc

    _, acc = lax.fori_loop(0, K, body, (keys, lane128))
    row = lax.broadcasted_iota(jnp.int32, (B, 128), 0)
    idx_ref[...] = acc + N_PER * row


def _topk(keys2d):
    return pl.pallas_call(
        _topk_body,
        out_shape=jax.ShapeDtypeStruct((B, 128), jnp.int32),
    )(keys2d)


def _gather_body(feat_hbm, idx_hbm, out_hbm, idx_v, rows_v, sem):
    wid = lax.axis_index("s") * _SC_CORES + lax.axis_index("c")
    base = wid * _ROWS_PER_W
    pltpu.sync_copy(idx_hbm.at[pl.ds(base, _ROWS_PER_W)], idx_v)
    pltpu.async_copy(feat_hbm.at[idx_v], rows_v, sem).wait()
    pltpu.sync_copy(rows_v, out_hbm.at[pl.ds(base, _ROWS_PER_W)])


def _gather_rows(feat, idx_flat):
    mesh = plsc.VectorSubcoreMesh(core_axis_name="c", subcore_axis_name="s")
    kern = functools.partial(
        pl.kernel,
        mesh=mesh,
        out_type=jax.ShapeDtypeStruct((_GATHER_ROWS, D), jnp.float32),
        scratch_types=[
            pltpu.VMEM((_ROWS_PER_W,), jnp.int32),
            pltpu.VMEM((_ROWS_PER_W, D), jnp.float32),
            pltpu.SemaphoreType.DMA,
        ],
    )(_gather_body)
    return kern(feat, idx_flat)


def _rowsort_body(x_ref, o_ref):
    x = x_ref[...]
    i = lax.broadcasted_iota(jnp.int32, x.shape, 1)
    k = 2
    while k <= D:
        j = k // 2
        while j >= 1:
            bitj = (i & j) != 0
            p = jnp.where(bitj, jnp.roll(x, j, axis=1), jnp.roll(x, -j, axis=1))
            want_first = ((i & k) == 0) == ~bitj
            keep = (x <= p) == want_first
            x = jnp.where(keep, x, p)
            j //= 2
        k *= 2
    o_ref[...] = x


def _rowsort(rows):
    return pl.pallas_call(
        _rowsort_body,
        out_shape=jax.ShapeDtypeStruct((_GATHER_ROWS, D), jnp.float32),
    )(rows)


def kernel(feat):
    keys2d = _rowmax(feat).reshape(B, N_PER)
    idx = _topk(keys2d)
    idx_flat = idx[:, :K].reshape(B * K)
    pad = jnp.arange(_GATHER_ROWS - B * K, dtype=jnp.int32)
    idx_flat = jnp.concatenate([idx_flat, pad])
    rows = _gather_rows(feat, idx_flat)
    srt = _rowsort(rows)
    return srt[: B * K].reshape(B, K * D)

# --- scband reference (transcript-rebuilt; emitter-appended) ---
"""Pipeline reference for scband-sort-pooling-49289044689301 (READ-ONLY COPY).

The authoritative reference and input builder live on the scoring server;
editing this copy changes nothing except your own understanding.
"""

import jax, jax.numpy as jnp
import numpy as np

B = 10          # number of graphs in the batch
N_PER = 10000   # nodes per graph (equal-sized batched graph)
K = 100         # nodes retained per graph


def setup_inputs(seed: int = 0) -> dict:
    key = jax.random.key(seed)
    feat = jax.random.normal(key, (B * N_PER, 128), dtype=jnp.float32)
    return {"feat": feat}


def reference(feat):
    # SortPooling (DGCNN): 1) sort each node's feature vector along the
    # feature dimension; 2) per graph, pick the top-k nodes ranked
    # (descending) by the last (largest) feature channel; 3) flatten.
    D = feat.shape[-1]
    feat_sorted = jnp.sort(feat, axis=-1)
    x = feat_sorted.reshape(B, N_PER, D)
    # sortby=-1 channel, descending order (dgl.topk_nodes default descending)
    keys = x[:, :, -1]
    _, idx = jax.lax.top_k(keys, K)            # [B, K]
    topk_feat = jnp.take_along_axis(x, idx[:, :, None], axis=1)  # [B, K, D]
    return topk_feat.reshape(B, K * D)

if __name__ == "__main__":
    import jax
    _d = setup_inputs()
    print(jax.jit(kernel)(*tuple(_d.values())))

</pallas_src>

<mosaic_0001>
#map = affine_map<(d0, d1) -> (0, 0)>
#map1 = affine_map<(d0, d1) -> (0)>
module attributes {stable_mosaic.version = 14 : i64} {
  func.func @_gather_body(%arg0: i32, %arg1: i32, %arg2: memref<100000x128xf32, #tpu.memory_space<hbm>>, %arg3: memref<1024xi32, #tpu.memory_space<hbm>>, %arg4: memref<1024x128xf32, #tpu.memory_space<hbm>>, %arg5: memref<32xi32, #tpu.memory_space<vmem>>, %arg6: memref<32x128xf32, #tpu.memory_space<vmem>>, %arg7: memref<!tpu.dma_semaphore, #tpu.memory_space<semaphore_mem>>) attributes {dimension_semantics = [#tpu.dimension_semantics<core_parallel>, #tpu.dimension_semantics<subcore_parallel>], iteration_bounds = array<i64: 2, 16>, scalar_prefetch = 0 : i64, scratch_operands = 3 : i64, tpu.core_type = #tpu.core_type<sc_vector_subcore>, window_params = [{transform_indices = #map}, {transform_indices = #map1}, {transform_indices = #map}]} {
    %mul3A = arith.constant 2 : i32
    %mul3A_0 = arith.muli %arg1, %mul3A : i32
    %add3A = arith.addi %mul3A_0, %arg0 : i32
    %mul3A_1 = arith.constant 32 : i32
    %mul3A_2 = arith.muli %add3A, %mul3A_1 : i32
    "tpu.region"() ({
      %run_scoped3A = tpu.sem_alloc : memref<!tpu.dma_semaphore, #tpu.memory_space<semaphore_mem>>
      %dma_start3A_7 = tpu.memref_slice %arg3[%mul3A_2] : memref<1024xi32, #tpu.memory_space<hbm>> -> memref<32xi32, #tpu.memory_space<hbm>>
      %dma_start3A_8 = tpu.memref_slice %arg3[%mul3A_2] : memref<1024xi32, #tpu.memory_space<hbm>> -> memref<32xi32, #tpu.memory_space<hbm>>
      tpu.enqueue_dma source(%dma_start3A_8 : memref<32xi32, #tpu.memory_space<hbm>>) target(%arg5 : memref<32xi32, #tpu.memory_space<vmem>>) target_semaphore(%run_scoped3A : memref<!tpu.dma_semaphore, #tpu.memory_space<semaphore_mem>>)
      %dma_wait3A_9 = tpu.memref_slice %arg3[%mul3A_2] : memref<1024xi32, #tpu.memory_space<hbm>> -> memref<32xi32, #tpu.memory_space<hbm>>
      %dma_wait3A_10 = tpu.memref_slice %arg3[%mul3A_2] : memref<1024xi32, #tpu.memory_space<hbm>> -> memref<32xi32, #tpu.memory_space<hbm>>
      tpu.wait_dma2 semaphore(%run_scoped3A : memref<!tpu.dma_semaphore, #tpu.memory_space<semaphore_mem>>) src(%dma_wait3A_10 : memref<32xi32, #tpu.memory_space<hbm>>) dst(%arg5 : memref<32xi32, #tpu.memory_space<vmem>>)
      tpu.yield
    }) : () -> ()
    %dma_start3A = arith.constant 0 : i32
    %dma_start3A_3 = arith.constant 0 : i32
    %dma_start3A_4 = tpu.memref_slice %arg2[%dma_start3A, %dma_start3A_3] : memref<100000x128xf32, #tpu.memory_space<hbm>> -> memref<100000x128xf32, #tpu.memory_space<hbm>>
    tpu.enqueue_indirect_dma source(%dma_start3A_4 : memref<100000x128xf32, #tpu.memory_space<hbm>>) target(%arg6 : memref<32x128xf32, #tpu.memory_space<vmem>>) offsets(%arg5 : memref<32xi32, #tpu.memory_space<vmem>>) semaphore(%arg7 : memref<!tpu.dma_semaphore, #tpu.memory_space<semaphore_mem>>)
    %dma_wait3A = arith.constant 0 : i32
    %dma_wait3A_5 = arith.constant 0 : i32
    %dma_wait3A_6 = tpu.memref_slice %arg2[%dma_wait3A, %dma_wait3A_5] : memref<100000x128xf32, #tpu.memory_space<hbm>> -> memref<100000x128xf32, #tpu.memory_space<hbm>>
    tpu.wait_indirect_dma semaphore(%arg7 : memref<!tpu.dma_semaphore, #tpu.memory_space<semaphore_mem>>) src(%dma_wait3A_6 : memref<100000x128xf32, #tpu.memory_space<hbm>>) dst(%arg6 : memref<32x128xf32, #tpu.memory_space<vmem>>)
    "tpu.region"() ({
      %run_scoped3A = tpu.sem_alloc : memref<!tpu.dma_semaphore, #tpu.memory_space<semaphore_mem>>
      %dma_start3A_7 = arith.constant 0 : i32
      %dma_start3A_8 = tpu.memref_slice %arg4[%mul3A_2, %dma_start3A_7] : memref<1024x128xf32, #tpu.memory_space<hbm>> -> memref<32x128xf32, #tpu.memory_space<hbm>>
      %dma_start3A_9 = arith.constant 0 : i32
      %dma_start3A_10 = tpu.memref_slice %arg4[%mul3A_2, %dma_start3A_9] : memref<1024x128xf32, #tpu.memory_space<hbm>> -> memref<32x128xf32, #tpu.memory_space<hbm>>
      tpu.enqueue_dma source(%arg6 : memref<32x128xf32, #tpu.memory_space<vmem>>) target(%dma_start3A_10 : memref<32x128xf32, #tpu.memory_space<hbm>>) target_semaphore(%run_scoped3A : memref<!tpu.dma_semaphore, #tpu.memory_space<semaphore_mem>>)
      %dma_wait3A_11 = arith.constant 0 : i32
      %dma_wait3A_12 = tpu.memref_slice %arg4[%mul3A_2, %dma_wait3A_11] : memref<1024x128xf32, #tpu.memory_space<hbm>> -> memref<32x128xf32, #tpu.memory_space<hbm>>
      %dma_wait3A_13 = arith.constant 0 : i32
      %dma_wait3A_14 = tpu.memref_slice %arg4[%mul3A_2, %dma_wait3A_13] : memref<1024x128xf32, #tpu.memory_space<hbm>> -> memref<32x128xf32, #tpu.memory_space<hbm>>
      tpu.wait_dma2 semaphore(%run_scoped3A : memref<!tpu.dma_semaphore, #tpu.memory_space<semaphore_mem>>) src(%arg6 : memref<32x128xf32, #tpu.memory_space<vmem>>) dst(%dma_wait3A_14 : memref<32x128xf32, #tpu.memory_space<hbm>>)
      tpu.yield
    }) : () -> ()
    return
  }
}

module attributes {stable_mosaic.version = 14 : i64} {
  func.func @_topk_body(%arg0: memref<10x10000xf32, #tpu.memory_space<vmem>>, %arg1: memref<10x128xi32, #tpu.memory_space<vmem>>) attributes {dimension_semantics = [], scalar_prefetch = 0 : i64, scratch_operands = 0 : i64, tpu.core_type = #tpu.core_type<tc>} {
    %get3A = arith.constant 0 : index
    %get3A_0 = arith.constant 0 : index
    %get3A_1 = vector.load %arg0[%get3A, %get3A_0] : memref<10x10000xf32, #tpu.memory_space<vmem>>, vector<10x10000xf32>
    %iota3A = tpu.iota {dimensions = array<i32: 1>} : vector<10x10000xi32>
    %iota3A_2 = tpu.iota {dimensions = array<i32: 1>} : vector<10x128xi32>
    %scan3A = arith.constant 0 : i32
    %scan3A_3 = arith.constant 100 : i32
    %scan3A_4 = arith.addi %scan3A, %scan3A_3 : i32
    %scan3A_5 = arith.constant 1 : i32
    %scan3A_6:2 = scf.for %scan3A_13 = %scan3A to %scan3A_4 step %scan3A_5 iter_args(%scan3A_14 = %get3A_1, %scan3A_15 = %iota3A_2) -> (vector<10x10000xf32>, vector<10x128xi32>)  : i32 {
      %reduce_max3A = arith.constant dense<0xFF800000> : vector<10xf32>
      %reduce_max3A_16 = vector.multi_reduction <maximumf>, %scan3A_14, %reduce_max3A [1] : vector<10x10000xf32> to vector<10xf32>
      %broadcast_in_dim3A = vector.shape_cast %reduce_max3A_16 : vector<10xf32> to vector<10x1xf32>
      %eq3A = vector.broadcast %broadcast_in_dim3A : vector<10x1xf32> to vector<10x10000xf32>
      %eq3A_17 = arith.cmpf oeq, %scan3A_14, %eq3A : vector<10x10000xf32>
      %jit3A = arith.constant 1073741824 : i32
      %broadcast_in_dim3A_18 = vector.broadcast %jit3A : i32 to vector<10x10000xi32>
      %select_n3A = arith.select %eq3A_17, %iota3A, %broadcast_in_dim3A_18 : vector<10x10000xi1>, vector<10x10000xi32>
      %reduce_min3A = arith.constant dense<2147483647> : vector<10xi32>
      %reduce_min3A_19 = vector.multi_reduction <minsi>, %select_n3A, %reduce_min3A [1] : vector<10x10000xi32> to vector<10xi32>
      %broadcast_in_dim3A_20 = vector.shape_cast %reduce_min3A_19 : vector<10xi32> to vector<10x1xi32>
      %eq3A_21 = vector.broadcast %scan3A_13 : i32 to vector<10x128xi32>
      %eq3A_22 = arith.cmpi eq, %iota3A_2, %eq3A_21 : vector<10x128xi32>
      %broadcast_in_dim3A_23 = vector.shape_cast %broadcast_in_dim3A_20 : vector<10x1xi32> to vector<10x1xi32>
      %broadcast_in_dim3A_24 = vector.broadcast %broadcast_in_dim3A_23 : vector<10x1xi32> to vector<10x128xi32>
      %select_n3A_25 = arith.select %eq3A_22, %broadcast_in_dim3A_24, %scan3A_15 : vector<10x128xi1>, vector<10x128xi32>
      %eq3A_26 = vector.broadcast %broadcast_in_dim3A_20 : vector<10x1xi32> to vector<10x10000xi32>
      %eq3A_27 = arith.cmpi eq, %iota3A, %eq3A_26 : vector<10x10000xi32>
      %jit3A_28 = arith.constant 0xFF800000 : f32
      %broadcast_in_dim3A_29 = vector.broadcast %jit3A_28 : f32 to vector<10x10000xf32>
      %select_n3A_30 = arith.select %eq3A_27, %broadcast_in_dim3A_29, %scan3A_14 : vector<10x10000xi1>, vector<10x10000xf32>
      scf.yield %select_n3A_30, %select_n3A_25 : vector<10x10000xf32>, vector<10x128xi32>
    }
    %scan3A_7 = arith.constant 100 : i32
    %iota3A_8 = tpu.iota {dimensions = array<i32: 0>} : vector<10x128xi32>
    %mul3A = arith.constant 10000 : i32
    %mul3A_9 = vector.broadcast %mul3A : i32 to vector<10x128xi32>
    %mul3A_10 = arith.muli %mul3A_9, %iota3A_8 : vector<10x128xi32>
    %add3A = arith.addi %scan3A_6#1, %mul3A_10 : vector<10x128xi32>
    %swap3A = arith.constant 0 : index
    %swap3A_11 = arith.constant 0 : index
    %swap3A_12 = vector.load %arg1[%swap3A, %swap3A_11] : memref<10x128xi32, #tpu.memory_space<vmem>>, vector<10x128xi32>
    tpu.vector_store %arg1[%swap3A, %swap3A_11], %add3A {strides = array<i32>} : memref<10x128xi32, #tpu.memory_space<vmem>>, vector<10x128xi32>,
    return
  }
}

module attributes {stable_mosaic.version = 14 : i64} {
  func.func @_rowmax_body(%arg0: i32, %arg1: memref<10000x128xf32, #tpu.memory_space<vmem>>, %arg2: memref<1x1x10000xf32, #tpu.memory_space<vmem>>) attributes {dimension_semantics = [#tpu.dimension_semantics<arbitrary>], iteration_bounds = array<i64: 10>, scalar_prefetch = 0 : i64, scratch_operands = 0 : i64, tpu.core_type = #tpu.core_type<tc>, window_params = [{transform_indices = @transform_0, window_bounds = array<i64: 10000, 128>}, {transform_indices = @transform_1, window_bounds = array<i64: 1, 1, 10000>}]} {
    %get3A = arith.constant 0 : index
    %get3A_0 = arith.constant 0 : index
    %get3A_1 = vector.load %arg1[%get3A, %get3A_0] : memref<10000x128xf32, #tpu.memory_space<vmem>>, vector<10000x128xf32>
    %reduce_max3A = arith.constant dense<0xFF800000> : vector<10000xf32>
    %reduce_max3A_2 = vector.multi_reduction <maximumf>, %get3A_1, %reduce_max3A [1] : vector<10000x128xf32> to vector<10000xf32>
    %reshape3A = vector.shape_cast %reduce_max3A_2 : vector<10000xf32> to vector<1x1x10000xf32>
    %swap3A = arith.constant 0 : index
    %swap3A_3 = arith.constant 0 : index
    %swap3A_4 = arith.constant 0 : index
    %swap3A_5 = vector.load %arg2[%swap3A, %swap3A_3, %swap3A_4] : memref<1x1x10000xf32, #tpu.memory_space<vmem>>, vector<1x1x10000xf32>
    tpu.vector_store %arg2[%swap3A, %swap3A_3, %swap3A_4], %reshape3A {strides = array<i32>} : memref<1x1x10000xf32, #tpu.memory_space<vmem>>, vector<1x1x10000xf32>,
    return
  }
  func.func @transform_0(%arg0: i32) -> (i32, i32) {
    %c0_i32 = arith.constant 0 : i32
    %c0_i32_0 = arith.constant 0 : i32
    return %arg0, %c0_i32 : i32, i32
  }
  func.func @transform_1(%arg0: i32) -> (i32, i32, i32) {
    %c0_i32 = arith.constant 0 : i32
    %c0_i32_0 = arith.constant 0 : i32
    %c0_i32_1 = arith.constant 0 : i32
    return %arg0, %c0_i32, %c0_i32_0 : i32, i32, i32
  }
}

module attributes {stable_mosaic.version = 14 : i64} {
  func.func @_rowsort_body(%arg0: memref<1024x128xf32, #tpu.memory_space<vmem>>, %arg1: memref<1024x128xf32, #tpu.memory_space<vmem>>) attributes {dimension_semantics = [], scalar_prefetch = 0 : i64, scratch_operands = 0 : i64, tpu.core_type = #tpu.core_type<tc>} {
    %get3A = arith.constant 0 : index
    %get3A_0 = arith.constant 0 : index
    %get3A_1 = vector.load %arg0[%get3A, %get3A_0] : memref<1024x128xf32, #tpu.memory_space<vmem>>, vector<1024x128xf32>
    %iota3A = tpu.iota {dimensions = array<i32: 1>} : vector<1024x128xi32>
    %and3A = arith.constant 1 : i32
    %and3A_2 = vector.broadcast %and3A : i32 to vector<1024x128xi32>
    %and3A_3 = arith.andi %iota3A, %and3A_2 : vector<1024x128xi32>
    %ne3A = arith.constant 0 : i32
    %ne3A_4 = vector.broadcast %ne3A : i32 to vector<1024x128xi32>
    %ne3A_5 = arith.cmpi ne, %and3A_3, %ne3A_4 : vector<1024x128xi32>
    %slice3A = vector.extract_strided_slice %get3A_1 {offsets = [0, 127], sizes = [1024, 1], strides = [1, 1]} : vector<1024x128xf32> to vector<1024x1xf32>
    %slice3A_6 = vector.extract_strided_slice %get3A_1 {offsets = [0, 0], sizes = [1024, 127], strides = [1, 1]} : vector<1024x128xf32> to vector<1024x127xf32>
    %concatenate3A = tpu.concatenate %slice3A, %slice3A_6 in 1 : vector<1024x1xf32>, vector<1024x127xf32> -> vector<1024x128xf32>
    %slice3A_7 = vector.extract_strided_slice %get3A_1 {offsets = [0, 1], sizes = [1024, 127], strides = [1, 1]} : vector<1024x128xf32> to vector<1024x127xf32>
    %slice3A_8 = vector.extract_strided_slice %get3A_1 {offsets = [0, 0], sizes = [1024, 1], strides = [1, 1]} : vector<1024x128xf32> to vector<1024x1xf32>
    %concatenate3A_9 = tpu.concatenate %slice3A_7, %slice3A_8 in 1 : vector<1024x127xf32>, vector<1024x1xf32> -> vector<1024x128xf32>
    %select_n3A = arith.select %ne3A_5, %concatenate3A, %concatenate3A_9 : vector<1024x128xi1>, vector<1024x128xf32>
    %and3A_10 = arith.constant 2 : i32
    %and3A_11 = vector.broadcast %and3A_10 : i32 to vector<1024x128xi32>
    %and3A_12 = arith.andi %iota3A, %and3A_11 : vector<1024x128xi32>
    %eq3A = arith.constant 0 : i32
    %eq3A_13 = vector.broadcast %eq3A : i32 to vector<1024x128xi32>
    %eq3A_14 = arith.cmpi eq, %and3A_12, %eq3A_13 : vector<1024x128xi32>
    %not3A = arith.constant dense<true> : vector<1024x128xi1>
    %not3A_15 = arith.xori %ne3A_5, %not3A : vector<1024x128xi1>
    %eq3A_16 = arith.xori %eq3A_14, %not3A_15 : vector<1024x128xi1>
    %eq3A_17 = arith.constant dense<true> : vector<1024x128xi1>
    %eq3A_18 = arith.xori %eq3A_16, %eq3A_17 : vector<1024x128xi1>
    %le3A = arith.cmpf ole, %get3A_1, %select_n3A : vector<1024x128xf32>
    %eq3A_19 = arith.xori %le3A, %eq3A_18 : vector<1024x128xi1>
    %eq3A_20 = arith.constant dense<true> : vector<1024x128xi1>
    %eq3A_21 = arith.xori %eq3A_19, %eq3A_20 : vector<1024x128xi1>
    %select_n3A_22 = arith.select %eq3A_21, %get3A_1, %select_n3A : vector<1024x128xi1>, vector<1024x128xf32>
    %and3A_23 = arith.constant 2 : i32
    %and3A_24 = vector.broadcast %and3A_23 : i32 to vector<1024x128xi32>
    %and3A_25 = arith.andi %iota3A, %and3A_24 : vector<1024x128xi32>
    %ne3A_26 = arith.constant 0 : i32
    %ne3A_27 = vector.broadcast %ne3A_26 : i32 to vector<1024x128xi32>
    %ne3A_28 = arith.cmpi ne, %and3A_25, %ne3A_27 : vector<1024x128xi32>
    %slice3A_29 = vector.extract_strided_slice %select_n3A_22 {offsets = [0, 126], sizes = [1024, 2], strides = [1, 1]} : vector<1024x128xf32> to vector<1024x2xf32>
    %slice3A_30 = vector.extract_strided_slice %select_n3A_22 {offsets = [0, 0], sizes = [1024, 126], strides = [1, 1]} : vector<1024x128xf32> to vector<1024x126xf32>
    %concatenate3A_31 = tpu.concatenate %slice3A_29, %slice3A_30 in 1 : vector<1024x2xf32>, vector<1024x126xf32> -> vector<1024x128xf32>
    %slice3A_32 = vector.extract_strided_slice %select_n3A_22 {offsets = [0, 2], sizes = [1024, 126], strides = [1, 1]} : vector<1024x128xf32> to vector<1024x126xf32>
    %slice3A_33 = vector.extract_strided_slice %select_n3A_22 {offsets = [0, 0], sizes = [1024, 2], strides = [1, 1]} : vector<1024x128xf32> to vector<1024x2xf32>
    %concatenate3A_34 = tpu.concatenate %slice3A_32, %slice3A_33 in 1 : vector<1024x126xf32>, vector<1024x2xf32> -> vector<1024x128xf32>
    %select_n3A_35 = arith.select %ne3A_28, %concatenate3A_31, %concatenate3A_34 : vector<1024x128xi1>, vector<1024x128xf32>
    %and3A_36 = arith.constant 4 : i32
    %and3A_37 = vector.broadcast %and3A_36 : i32 to vector<1024x128xi32>
    %and3A_38 = arith.andi %iota3A, %and3A_37 : vector<1024x128xi32>
    %eq3A_39 = arith.constant 0 : i32
    %eq3A_40 = vector.broadcast %eq3A_39 : i32 to vector<1024x128xi32>
    %eq3A_41 = arith.cmpi eq, %and3A_38, %eq3A_40 : vector<1024x128xi32>
    %not3A_42 = arith.constant dense<true> : vector<1024x128xi1>
    %not3A_43 = arith.xori %ne3A_28, %not3A_42 : vector<1024x128xi1>
    %eq3A_44 = arith.xori %eq3A_41, %not3A_43 : vector<1024x128xi1>
    %eq3A_45 = arith.constant dense<true> : vector<1024x128xi1>
    %eq3A_46 = arith.xori %eq3A_44, %eq3A_45 : vector<1024x128xi1>
    %le3A_47 = arith.cmpf ole, %select_n3A_22, %select_n3A_35 : vector<1024x128xf32>
    %eq3A_48 = arith.xori %le3A_47, %eq3A_46 : vector<1024x128xi1>
    %eq3A_49 = arith.constant dense<true> : vector<1024x128xi1>
    %eq3A_50 = arith.xori %eq3A_48, %eq3A_49 : vector<1024x128xi1>
    %select_n3A_51 = arith.select %eq3A_50, %select_n3A_22, %select_n3A_35 : vector<1024x128xi1>, vector<1024x128xf32>
    %and3A_52 = arith.constant 1 : i32
    %and3A_53 = vector.broadcast %and3A_52 : i32 to vector<1024x128xi32>
    %and3A_54 = arith.andi %iota3A, %and3A_53 : vector<1024x128xi32>
    %ne3A_55 = arith.constant 0 : i32
    %ne3A_56 = vector.broadcast %ne3A_55 : i32 to vector<1024x128xi32>
    %ne3A_57 = arith.cmpi ne, %and3A_54, %ne3A_56 : vector<1024x128xi32>
    %slice3A_58 = vector.extract_strided_slice %select_n3A_51 {offsets = [0, 127], sizes = [1024, 1], strides = [1, 1]} : vector<1024x128xf32> to vector<1024x1xf32>
    %slice3A_59 = vector.extract_strided_slice %select_n3A_51 {offsets = [0, 0], sizes = [1024, 127], strides = [1, 1]} : vector<1024x128xf32> to vector<1024x127xf32>
    %concatenate3A_60 = tpu.concatenate %slice3A_58, %slice3A_59 in 1 : vector<1024x1xf32>, vector<1024x127xf32> -> vector<1024x128xf32>
    %slice3A_61 = vector.extract_strided_slice %select_n3A_51 {offsets = [0, 1], sizes = [1024, 127], strides = [1, 1]} : vector<1024x128xf32> to vector<1024x127xf32>
    %slice3A_62 = vector.extract_strided_slice %select_n3A_51 {offsets = [0, 0], sizes = [1024, 1], strides = [1, 1]} : vector<1024x128xf32> to vector<1024x1xf32>
    %concatenate3A_63 = tpu.concatenate %slice3A_61, %slice3A_62 in 1 : vector<1024x127xf32>, vector<1024x1xf32> -> vector<1024x128xf32>
    %select_n3A_64 = arith.select %ne3A_57, %concatenate3A_60, %concatenate3A_63 : vector<1024x128xi1>, vector<1024x128xf32>
    %and3A_65 = arith.constant 4 : i32
    %and3A_66 = vector.broadcast %and3A_65 : i32 to vector<1024x128xi32>
    %and3A_67 = arith.andi %iota3A, %and3A_66 : vector<1024x128xi32>
    %eq3A_68 = arith.constant 0 : i32
    %eq3A_69 = vector.broadcast %eq3A_68 : i32 to vector<1024x128xi32>
    %eq3A_70 = arith.cmpi eq, %and3A_67, %eq3A_69 : vector<1024x128xi32>
    %not3A_71 = arith.constant dense<true> : vector<1024x128xi1>
    %not3A_72 = arith.xori %ne3A_57, %not3A_71 : vector<1024x128xi1>
    %eq3A_73 = arith.xori %eq3A_70, %not3A_72 : vector<1024x128xi1>
    %eq3A_74 = arith.constant dense<true> : vector<1024x128xi1>
    %eq3A_75 = arith.xori %eq3A_73, %eq3A_74 : vector<1024x128xi1>
    %le3A_76 = arith.cmpf ole, %select_n3A_51, %select_n3A_64 : vector<1024x128xf32>
    %eq3A_77 = arith.xori %le3A_76, %eq3A_75 : vector<1024x128xi1>
    %eq3A_78 = arith.constant dense<true> : vector<1024x128xi1>
    %eq3A_79 = arith.xori %eq3A_77, %eq3A_78 : vector<1024x128xi1>
    %select_n3A_80 = arith.select %eq3A_79, %select_n3A_51, %select_n3A_64 : vector<1024x128xi1>, vector<1024x128xf32>
    %and3A_81 = arith.constant 4 : i32
    %and3A_82 = vector.broadcast %and3A_81 : i32 to vector<1024x128xi32>
    %and3A_83 = arith.andi %iota3A, %and3A_82 : vector<1024x128xi32>
    %ne3A_84 = arith.constant 0 : i32
    %ne3A_85 = vector.broadcast %ne3A_84 : i32 to vector<1024x128xi32>
    %ne3A_86 = arith.cmpi ne, %and3A_83, %ne3A_85 : vector<1024x128xi32>
    %slice3A_87 = vector.extract_strided_slice %select_n3A_80 {offsets = [0, 124], sizes = [1024, 4], strides = [1, 1]} : vector<1024x128xf32> to vector<1024x4xf32>
    %slice3A_88 = vector.extract_strided_slice %select_n3A_80 {offsets = [0, 0], sizes = [1024, 124], strides = [1, 1]} : vector<1024x128xf32> to vector<1024x124xf32>
    %concatenate3A_89 = tpu.concatenate %slice3A_87, %slice3A_88 in 1 : vector<1024x4xf32>, vector<1024x124xf32> -> vector<1024x128xf32>
    %slice3A_90 = vector.extract_strided_slice %select_n3A_80 {offsets = [0, 4], sizes = [1024, 124], strides = [1, 1]} : vector<1024x128xf32> to vector<1024x124xf32>
    %slice3A_91 = vector.extract_strided_slice %select_n3A_80 {offsets = [0, 0], sizes = [1024, 4], strides = [1, 1]} : vector<1024x128xf32> to vector<1024x4xf32>
    %concatenate3A_92 = tpu.concatenate %slice3A_90, %slice3A_91 in 1 : vector<1024x124xf32>, vector<1024x4xf32> -> vector<1024x128xf32>
    %select_n3A_93 = arith.select %ne3A_86, %concatenate3A_89, %concatenate3A_92 : vector<1024x128xi1>, vector<1024x128xf32>
    %and3A_94 = arith.constant 8 : i32
    %and3A_95 = vector.broadcast %and3A_94 : i32 to vector<1024x128xi32>
    %and3A_96 = arith.andi %iota3A, %and3A_95 : vector<1024x128xi32>
    %eq3A_97 = arith.constant 0 : i32
    %eq3A_98 = vector.broadcast %eq3A_97 : i32 to vector<1024x128xi32>
    %eq3A_99 = arith.cmpi eq, %and3A_96, %eq3A_98 : vector<1024x128xi32>
    %not3A_100 = arith.constant dense<true> : vector<1024x128xi1>
    %not3A_101 = arith.xori %ne3A_86, %not3A_100 : vector<1024x128xi1>
    %eq3A_102 = arith.xori %eq3A_99, %not3A_101 : vector<1024x128xi1>
    %eq3A_103 = arith.constant dense<true> : vector<1024x128xi1>
    %eq3A_104 = arith.xori %eq3A_102, %eq3A_103 : vector<1024x128xi1>
    %le3A_105 = arith.cmpf ole, %select_n3A_80, %select_n3A_93 : vector<1024x128xf32>
    %eq3A_106 = arith.xori %le3A_105, %eq3A_104 : vector<1024x128xi1>
    %eq3A_107 = arith.constant dense<true> : vector<1024x128xi1>
    %eq3A_108 = arith.xori %eq3A_106, %eq3A_107 : vector<1024x128xi1>
    %select_n3A_109 = arith.select %eq3A_108, %select_n3A_80, %select_n3A_93 : vector<1024x128xi1>, vector<1024x128xf32>
    %and3A_110 = arith.constant 2 : i32
    %and3A_111 = vector.broadcast %and3A_110 : i32 to vector<1024x128xi32>
    %and3A_112 = arith.andi %iota3A, %and3A_111 : vector<1024x128xi32>
    %ne3A_113 = arith.constant 0 : i32
    %ne3A_114 = vector.broadcast %ne3A_113 : i32 to vector<1024x128xi32>
    %ne3A_115 = arith.cmpi ne, %and3A_112, %ne3A_114 : vector<1024x128xi32>
    %slice3A_116 = vector.extract_strided_slice %select_n3A_109 {offsets = [0, 126], sizes = [1024, 2], strides = [1, 1]} : vector<1024x128xf32> to vector<1024x2xf32>
    %slice3A_117 = vector.extract_strided_slice %select_n3A_109 {offsets = [0, 0], sizes = [1024, 126], strides = [1, 1]} : vector<1024x128xf32> to vector<1024x126xf32>
    %concatenate3A_118 = tpu.concatenate %slice3A_116, %slice3A_117 in 1 : vector<1024x2xf32>, vector<1024x126xf32> -> vector<1024x128xf32>
    %slice3A_119 = vector.extract_strided_slice %select_n3A_109 {offsets = [0, 2], sizes = [1024, 126], strides = [1, 1]} : vector<1024x128xf32> to vector<1024x126xf32>
    %slice3A_120 = vector.extract_strided_slice %select_n3A_109 {offsets = [0, 0], sizes = [1024, 2], strides = [1, 1]} : vector<1024x128xf32> to vector<1024x2xf32>
    %concatenate3A_121 = tpu.concatenate %slice3A_119, %slice3A_120 in 1 : vector<1024x126xf32>, vector<1024x2xf32> -> vector<1024x128xf32>
    %select_n3A_122 = arith.select %ne3A_115, %concatenate3A_118, %concatenate3A_121 : vector<1024x128xi1>, vector<1024x128xf32>
    %and3A_123 = arith.constant 8 : i32
    %and3A_124 = vector.broadcast %and3A_123 : i32 to vector<1024x128xi32>
    %and3A_125 = arith.andi %iota3A, %and3A_124 : vector<1024x128xi32>
    %eq3A_126 = arith.constant 0 : i32
    %eq3A_127 = vector.broadcast %eq3A_126 : i32 to vector<1024x128xi32>
    %eq3A_128 = arith.cmpi eq, %and3A_125, %eq3A_127 : vector<1024x128xi32>
    %not3A_129 = arith.constant dense<true> : vector<1024x128xi1>
    %not3A_130 = arith.xori %ne3A_115, %not3A_129 : vector<1024x128xi1>
    %eq3A_131 = arith.xori %eq3A_128, %not3A_130 : vector<1024x128xi1>
    %eq3A_132 = arith.constant dense<true> : vector<1024x128xi1>
    %eq3A_133 = arith.xori %eq3A_131, %eq3A_132 : vector<1024x128xi1>
    %le3A_134 = arith.cmpf ole, %select_n3A_109, %select_n3A_122 : vector<1024x128xf32>
    %eq3A_135 = arith.xori %le3A_134, %eq3A_133 : vector<1024x128xi1>
    %eq3A_136 = arith.constant dense<true> : vector<1024x128xi1>
    %eq3A_137 = arith.xori %eq3A_135, %eq3A_136 : vector<1024x128xi1>
    %select_n3A_138 = arith.select %eq3A_137, %select_n3A_109, %select_n3A_122 : vector<1024x128xi1>, vector<1024x128xf32>
    %and3A_139 = arith.constant 1 : i32
    %and3A_140 = vector.broadcast %and3A_139 : i32 to vector<1024x128xi32>
    %and3A_141 = arith.andi %iota3A, %and3A_140 : vector<1024x128xi32>
    %ne3A_142 = arith.constant 0 : i32
    %ne3A_143 = vector.broadcast %ne3A_142 : i32 to vector<1024x128xi32>
    %ne3A_144 = arith.cmpi ne, %and3A_141, %ne3A_143 : vector<1024x128xi32>
    %slice3A_145 = vector.extract_strided_slice %select_n3A_138 {offsets = [0, 127], sizes = [1024, 1], strides = [1, 1]} : vector<1024x128xf32> to vector<1024x1xf32>
    %slice3A_146 = vector.extract_strided_slice %select_n3A_138 {offsets = [0, 0], sizes = [1024, 127], strides = [1, 1]} : vector<1024x128xf32> to vector<1024x127xf32>
    %concatenate3A_147 = tpu.concatenate %slice3A_145, %slice3A_146 in 1 : vector<1024x1xf32>, vector<1024x127xf32> -> vector<1024x128xf32>
    %slice3A_148 = vector.extract_strided_slice %select_n3A_138 {offsets = [0, 1], sizes = [1024, 127], strides = [1, 1]} : vector<1024x128xf32> to vector<1024x127xf32>
    %slice3A_149 = vector.extract_strided_slice %select_n3A_138 {offsets = [0, 0], sizes = [1024, 1], strides = [1, 1]} : vector<1024x128xf32> to vector<1024x1xf32>
    %concatenate3A_150 = tpu.concatenate %slice3A_148, %slice3A_149 in 1 : vector<1024x127xf32>, vector<1024x1xf32> -> vector<1024x128xf32>
    %select_n3A_151 = arith.select %ne3A_144, %concatenate3A_147, %concatenate3A_150 : vector<1024x128xi1>, vector<1024x128xf32>
    %and3A_152 = arith.constant 8 : i32
    %and3A_153 = vector.broadcast %and3A_152 : i32 to vector<1024x128xi32>
    %and3A_154 = arith.andi %iota3A, %and3A_153 : vector<1024x128xi32>
    %eq3A_155 = arith.constant 0 : i32
    %eq3A_156 = vector.broadcast %eq3A_155 : i32 to vector<1024x128xi32>
    %eq3A_157 = arith.cmpi eq, %and3A_154, %eq3A_156 : vector<1024x128xi32>
    %not3A_158 = arith.constant dense<true> : vector<1024x128xi1>
    %not3A_159 = arith.xori %ne3A_144, %not3A_158 : vector<1024x128xi1>
    %eq3A_160 = arith.xori %eq3A_157, %not3A_159 : vector<1024x128xi1>
    %eq3A_161 = arith.constant dense<true> : vector<1024x128xi1>
    %eq3A_162 = arith.xori %eq3A_160, %eq3A_161 : vector<1024x128xi1>
    %le3A_163 = arith.cmpf ole, %select_n3A_138, %select_n3A_151 : vector<1024x128xf32>
    %eq3A_164 = arith.xori %le3A_163, %eq3A_162 : vector<1024x128xi1>
    %eq3A_165 = arith.constant dense<true> : vector<1024x128xi1>
    %eq3A_166 = arith.xori %eq3A_164, %eq3A_165 : vector<1024x128xi1>
    %select_n3A_167 = arith.select %eq3A_166, %select_n3A_138, %select_n3A_151 : vector<1024x128xi1>, vector<1024x128xf32>
    %and3A_168 = arith.constant 8 : i32
    %and3A_169 = vector.broadcast %and3A_168 : i32 to vector<1024x128xi32>
    %and3A_170 = arith.andi %iota3A, %and3A_169 : vector<1024x128xi32>
    %ne3A_171 = arith.constant 0 : i32
    %ne3A_172 = vector.broadcast %ne3A_171 : i32 to vector<1024x128xi32>
    %ne3A_173 = arith.cmpi ne, %and3A_170, %ne3A_172 : vector<1024x128xi32>
    %slice3A_174 = vector.extract_strided_slice %select_n3A_167 {offsets = [0, 120], sizes = [1024, 8], strides = [1, 1]} : vector<1024x128xf32> to vector<1024x8xf32>
    %slice3A_175 = vector.extract_strided_slice %select_n3A_167 {offsets = [0, 0], sizes = [1024, 120], strides = [1, 1]} : vector<1024x128xf32> to vector<1024x120xf32>
    %concatenate3A_176 = tpu.concatenate %slice3A_174, %slice3A_175 in 1 : vector<1024x8xf32>, vector<1024x120xf32> -> vector<1024x128xf32>
    %slice3A_177 = vector.extract_strided_slice %select_n3A_167 {offsets = [0, 8], sizes = [1024, 120], strides = [1, 1]} : vector<1024x128xf32> to vector<1024x120xf32>
    %slice3A_178 = vector.extract_strided_slice %select_n3A_167 {offsets = [0, 0], sizes = [1024, 8], strides = [1, 1]} : vector<1024x128xf32> to vector<1024x8xf32>
    %concatenate3A_179 = tpu.concatenate %slice3A_177, %slice3A_178 in 1 : vector<1024x120xf32>, vector<1024x8xf32> -> vector<1024x128xf32>
    %select_n3A_180 = arith.select %ne3A_173, %concatenate3A_176, %concatenate3A_179 : vector<1024x128xi1>, vector<1024x128xf32>
    %and3A_181 = arith.constant 16 : i32
    %and3A_182 = vector.broadcast %and3A_181 : i32 to vector<1024x128xi32>
    %and3A_183 = arith.andi %iota3A, %and3A_182 : vector<1024x128xi32>
    %eq3A_184 = arith.constant 0 : i32
    %eq3A_185 = vector.broadcast %eq3A_184 : i32 to vector<1024x128xi32>
    %eq3A_186 = arith.cmpi eq, %and3A_183, %eq3A_185 : vector<1024x128xi32>
    %not3A_187 = arith.constant dense<true> : vector<1024x128xi1>
    %not3A_188 = arith.xori %ne3A_173, %not3A_187 : vector<1024x128xi1>
    %eq3A_189 = arith.xori %eq3A_186, %not3A_188 : vector<1024x128xi1>
    %eq3A_190 = arith.constant dense<true> : vector<1024x128xi1>
    %eq3A_191 = arith.xori %eq3A_189, %eq3A_190 : vector<1024x128xi1>
    %le3A_192 = arith.cmpf ole, %select_n3A_167, %select_n3A_180 : vector<1024x128xf32>
    %eq3A_193 = arith.xori %le3A_192, %eq3A_191 : vector<1024x128xi1>
    %eq3A_194 = arith.constant dense<true> : vector<1024x128xi1>
    %eq3A_195 = arith.xori %eq3A_193, %eq3A_194 : vector<1024x128xi1>
    %select_n3A_196 = arith.select %eq3A_195, %select_n3A_167, %select_n3A_180 : vector<1024x128xi1>, vector<1024x128xf32>
    %and3A_197 = arith.constant 4 : i32
    %and3A_198 = vector.broadcast %and3A_197 : i32 to vector<1024x128xi32>
    %and3A_199 = arith.andi %iota3A, %and3A_198 : vector<1024x128xi32>
    %ne3A_200 = arith.constant 0 : i32
    %ne3A_201 = vector.broadcast %ne3A_200 : i32 to vector<1024x128xi32>
    %ne3A_202 = arith.cmpi ne, %and3A_199, %ne3A_201 : vector<1024x128xi32>
    %slice3A_203 = vector.extract_strided_slice %select_n3A_196 {offsets = [0, 124], sizes = [1024, 4], strides = [1, 1]} : vector<1024x128xf32> to vector<1024x4xf32>
    %slice3A_204 = vector.extract_strided_slice %select_n3A_196 {offsets = [0, 0], sizes = [1024, 124], strides = [1, 1]} : vector<1024x128xf32> to vector<1024x124xf32>
    %concatenate3A_205 = tpu.concatenate %slice3A_203, %slice3A_204 in 1 : vector<1024x4xf32>, vector<1024x124xf32> -> vector<1024x128xf32>
    %slice3A_206 = vector.extract_strided_slice %select_n3A_196 {offsets = [0, 4], sizes = [1024, 124], strides = [1, 1]} : vector<1024x128xf32> to vector<1024x124xf32>
    %slice3A_207 = vector.extract_strided_slice %select_n3A_196 {offsets = [0, 0], sizes = [1024, 4], strides = [1, 1]} : vector<1024x128xf32> to vector<1024x4xf32>
    %concatenate3A_208 = tpu.concatenate %slice3A_206, %slice3A_207 in 1 : vector<1024x124xf32>, vector<1024x4xf32> -> vector<1024x128xf32>
    %select_n3A_209 = arith.select %ne3A_202, %concatenate3A_205, %concatenate3A_208 : vector<1024x128xi1>, vector<1024x128xf32>
    %and3A_210 = arith.constant 16 : i32
    %and3A_211 = vector.broadcast %and3A_210 : i32 to vector<1024x128xi32>
    %and3A_212 = arith.andi %iota3A, %and3A_211 : vector<1024x128xi32>
    %eq3A_213 = arith.constant 0 : i32
    %eq3A_214 = vector.broadcast %eq3A_213 : i32 to vector<1024x128xi32>
    %eq3A_215 = arith.cmpi eq, %and3A_212, %eq3A_214 : vector<1024x128xi32>
    %not3A_216 = arith.constant dense<true> : vector<1024x128xi1>
    %not3A_217 = arith.xori %ne3A_202, %not3A_216 : vector<1024x128xi1>
    %eq3A_218 = arith.xori %eq3A_215, %not3A_217 : vector<1024x128xi1>
    %eq3A_219 = arith.constant dense<true> : vector<1024x128xi1>
    %eq3A_220 = arith.xori %eq3A_218, %eq3A_219 : vector<1024x128xi1>
    %le3A_221 = arith.cmpf ole, %select_n3A_196, %select_n3A_209 : vector<1024x128xf32>
    %eq3A_222 = arith.xori %le3A_221, %eq3A_220 : vector<1024x128xi1>
    %eq3A_223 = arith.constant dense<true> : vector<1024x128xi1>
    %eq3A_224 = arith.xori %eq3A_222, %eq3A_223 : vector<1024x128xi1>
    %select_n3A_225 = arith.select %eq3A_224, %select_n3A_196, %select_n3A_209 : vector<1024x128xi1>, vector<1024x128xf32>
    %and3A_226 = arith.constant 2 : i32
    %and3A_227 = vector.broadcast %and3A_226 : i32 to vector<1024x128xi32>
    %and3A_228 = arith.andi %iota3A, %and3A_227 : vector<1024x128xi32>
    %ne3A_229 = arith.constant 0 : i32
    %ne3A_230 = vector.broadcast %ne3A_229 : i32 to vector<1024x128xi32>
    %ne3A_231 = arith.cmpi ne, %and3A_228, %ne3A_230 : vector<1024x128xi32>
    %slice3A_232 = vector.extract_strided_slice %select_n3A_225 {offsets = [0, 126], sizes = [1024, 2], strides = [1, 1]} : vector<1024x128xf32> to vector<1024x2xf32>
    %slice3A_233 = vector.extract_strided_slice %select_n3A_225 {offsets = [0, 0], sizes = [1024, 126], strides = [1, 1]} : vector<1024x128xf32> to vector<1024x126xf32>
    %concatenate3A_234 = tpu.concatenate %slice3A_232, %slice3A_233 in 1 : vector<1024x2xf32>, vector<1024x126xf32> -> vector<1024x128xf32>
    %slice3A_235 = vector.extract_strided_slice %select_n3A_225 {offsets = [0, 2], sizes = [1024, 126], strides = [1, 1]} : vector<1024x128xf32> to vector<1024x126xf32>
    %slice3A_236 = vector.extract_strided_slice %select_n3A_225 {offsets = [0, 0], sizes = [1024, 2], strides = [1, 1]} : vector<1024x128xf32> to vector<1024x2xf32>
    %concatenate3A_237 = tpu.concatenate %slice3A_235, %slice3A_236 in 1 : vector<1024x126xf32>, vector<1024x2xf32> -> vector<1024x128xf32>
    %select_n3A_238 = arith.select %ne3A_231, %concatenate3A_234, %concatenate3A_237 : vector<1024x128xi1>, vector<1024x128xf32>
    %and3A_239 = arith.constant 16 : i32
    %and3A_240 = vector.broadcast %and3A_239 : i32 to vector<1024x128xi32>
    %and3A_241 = arith.andi %iota3A, %and3A_240 : vector<1024x128xi32>
    %eq3A_242 = arith.constant 0 : i32
    %eq3A_243 = vector.broadcast %eq3A_242 : i32 to vector<1024x128xi32>
    %eq3A_244 = arith.cmpi eq, %and3A_241, %eq3A_243 : vector<1024x128xi32>
    %not3A_245 = arith.constant dense<true> : vector<1024x128xi1>
    %not3A_246 = arith.xori %ne3A_231, %not3A_245 : vector<1024x128xi1>
    %eq3A_247 = arith.xori %eq3A_244, %not3A_246 : vector<1024x128xi1>
    %eq3A_248 = arith.constant dense<true> : vector<1024x128xi1>
    %eq3A_249 = arith.xori %eq3A_247, %eq3A_248 : vector<1024x128xi1>
    %le3A_250 = arith.cmpf ole, %select_n3A_225, %select_n3A_238 : vector<1024x128xf32>
    %eq3A_251 = arith.xori %le3A_250, %eq3A_249 : vector<1024x128xi1>
    %eq3A_252 = arith.constant dense<true> : vector<1024x128xi1>
    %eq3A_253 = arith.xori %eq3A_251, %eq3A_252 : vector<1024x128xi1>
    %select_n3A_254 = arith.select %eq3A_253, %select_n3A_225, %select_n3A_238 : vector<1024x128xi1>, vector<1024x128xf32>
    %and3A_255 = arith.constant 1 : i32
    %and3A_256 = vector.broadcast %and3A_255 : i32 to vector<1024x128xi32>
    %and3A_257 = arith.andi %iota3A, %and3A_256 : vector<1024x128xi32>
    %ne3A_258 = arith.constant 0 : i32
    %ne3A_259 = vector.broadcast %ne3A_258 : i32 to vector<1024x128xi32>
    %ne3A_260 = arith.cmpi ne, %and3A_257, %ne3A_259 : vector<1024x128xi32>
    %slice3A_261 = vector.extract_strided_slice %select_n3A_254 {offsets = [0, 127], sizes = [1024, 1], strides = [1, 1]} : vector<1024x128xf32> to vector<1024x1xf32>
    %slice3A_262 = vector.extract_strided_slice %select_n3A_254 {offsets = [0, 0], sizes = [1024, 127], strides = [1, 1]} : vector<1024x128xf32> to vector<1024x127xf32>
    %concatenate3A_263 = tpu.concatenate %slice3A_261, %slice3A_262 in 1 : vector<1024x1xf32>, vector<1024x127xf32> -> vector<1024x128xf32>
    %slice3A_264 = vector.extract_strided_slice %select_n3A_254 {offsets = [0, 1], sizes = [1024, 127], strides = [1, 1]} : vector<1024x128xf32> to vector<1024x127xf32>
    %slice3A_265 = vector.extract_strided_slice %select_n3A_254 {offsets = [0, 0], sizes = [1024, 1], strides = [1, 1]} : vector<1024x128xf32> to vector<1024x1xf32>
    %concatenate3A_266 = tpu.concatenate %slice3A_264, %slice3A_265 in 1 : vector<1024x127xf32>, vector<1024x1xf32> -> vector<1024x128xf32>
    %select_n3A_267 = arith.select %ne3A_260, %concatenate3A_263, %concatenate3A_266 : vector<1024x128xi1>, vector<1024x128xf32>
    %and3A_268 = arith.constant 16 : i32
    %and3A_269 = vector.broadcast %and3A_268 : i32 to vector<1024x128xi32>
    %and3A_270 = arith.andi %iota3A, %and3A_269 : vector<1024x128xi32>
    %eq3A_271 = arith.constant 0 : i32
    %eq3A_272 = vector.broadcast %eq3A_271 : i32 to vector<1024x128xi32>
    %eq3A_273 = arith.cmpi eq, %and3A_270, %eq3A_272 : vector<1024x128xi32>
    %not3A_274 = arith.constant dense<true> : vector<1024x128xi1>
    %not3A_275 = arith.xori %ne3A_260, %not3A_274 : vector<1024x128xi1>
    %eq3A_276 = arith.xori %eq3A_273, %not3A_275 : vector<1024x128xi1>
    %eq3A_277 = arith.constant dense<true> : vector<1024x128xi1>
    %eq3A_278 = arith.xori %eq3A_276, %eq3A_277 : vector<1024x128xi1>
    %le3A_279 = arith.cmpf ole, %select_n3A_254, %select_n3A_267 : vector<1024x128xf32>
    %eq3A_280 = arith.xori %le3A_279, %eq3A_278 : vector<1024x128xi1>
    %eq3A_281 = arith.constant dense<true> : vector<1024x128xi1>
    %eq3A_282 = arith.xori %eq3A_280, %eq3A_281 : vector<1024x128xi1>
    %select_n3A_283 = arith.select %eq3A_282, %select_n3A_254, %select_n3A_267 : vector<1024x128xi1>, vector<1024x128xf32>
    %and3A_284 = arith.constant 16 : i32
    %and3A_285 = vector.broadcast %and3A_284 : i32 to vector<1024x128xi32>
    %and3A_286 = arith.andi %iota3A, %and3A_285 : vector<1024x128xi32>
    %ne3A_287 = arith.constant 0 : i32
    %ne3A_288 = vector.broadcast %ne3A_287 : i32 to vector<1024x128xi32>
    %ne3A_289 = arith.cmpi ne, %and3A_286, %ne3A_288 : vector<1024x128xi32>
    %slice3A_290 = vector.extract_strided_slice %select_n3A_283 {offsets = [0, 112], sizes = [1024, 16], strides = [1, 1]} : vector<1024x128xf32> to vector<1024x16xf32>
    %slice3A_291 = vector.extract_strided_slice %select_n3A_283 {offsets = [0, 0], sizes = [1024, 112], strides = [1, 1]} : vector<1024x128xf32> to vector<1024x112xf32>
    %concatenate3A_292 = tpu.concatenate %slice3A_290, %slice3A_291 in 1 : vector<1024x16xf32>, vector<1024x112xf32> -> vector<1024x128xf32>
    %slice3A_293 = vector.extract_strided_slice %select_n3A_283 {offsets = [0, 16], sizes = [1024, 112], strides = [1, 1]} : vector<1024x128xf32> to vector<1024x112xf32>
    %slice3A_294 = vector.extract_strided_slice %select_n3A_283 {offsets = [0, 0], sizes = [1024, 16], strides = [1, 1]} : vector<1024x128xf32> to vector<1024x16xf32>
    %concatenate3A_295 = tpu.concatenate %slice3A_293, %slice3A_294 in 1 : vector<1024x112xf32>, vector<1024x16xf32> -> vector<1024x128xf32>
    %select_n3A_296 = arith.select %ne3A_289, %concatenate3A_292, %concatenate3A_295 : vector<1024x128xi1>, vector<1024x128xf32>
    %and3A_297 = arith.constant 32 : i32
    %and3A_298 = vector.broadcast %and3A_297 : i32 to vector<1024x128xi32>
    %and3A_299 = arith.andi %iota3A, %and3A_298 : vector<1024x128xi32>
    %eq3A_300 = arith.constant 0 : i32
    %eq3A_301 = vector.broadcast %eq3A_300 : i32 to vector<1024x128xi32>
    %eq3A_302 = arith.cmpi eq, %and3A_299, %eq3A_301 : vector<1024x128xi32>
    %not3A_303 = arith.constant dense<true> : vector<1024x128xi1>
    %not3A_304 = arith.xori %ne3A_289, %not3A_303 : vector<1024x128xi1>
    %eq3A_305 = arith.xori %eq3A_302, %not3A_304 : vector<1024x128xi1>
    %eq3A_306 = arith.constant dense<true> : vector<1024x128xi1>
    %eq3A_307 = arith.xori %eq3A_305, %eq3A_306 : vector<1024x128xi1>
    %le3A_308 = arith.cmpf ole, %select_n3A_283, %select_n3A_296 : vector<1024x128xf32>
    %eq3A_309 = arith.xori %le3A_308, %eq3A_307 : vector<1024x128xi1>
    %eq3A_310 = arith.constant dense<true> : vector<1024x128xi1>
    %eq3A_311 = arith.xori %eq3A_309, %eq3A_310 : vector<1024x128xi1>
    %select_n3A_312 = arith.select %eq3A_311, %select_n3A_283, %select_n3A_296 : vector<1024x128xi1>, vector<1024x128xf32>
    %and3A_313 = arith.constant 8 : i32
    %and3A_314 = vector.broadcast %and3A_313 : i32 to vector<1024x128xi32>
    %and3A_315 = arith.andi %iota3A, %and3A_314 : vector<1024x128xi32>
    %ne3A_316 = arith.constant 0 : i32
    %ne3A_317 = vector.broadcast %ne3A_316 : i32 to vector<1024x128xi32>
    %ne3A_318 = arith.cmpi ne, %and3A_315, %ne3A_317 : vector<1024x128xi32>
    %slice3A_319 = vector.extract_strided_slice %select_n3A_312 {offsets = [0, 120], sizes = [1024, 8], strides = [1, 1]} : vector<1024x128xf32> to vector<1024x8xf32>
    %slice3A_320 = vector.extract_strided_slice %select_n3A_312 {offsets = [0, 0], sizes = [1024, 120], strides = [1, 1]} : vector<1024x128xf32> to vector<1024x120xf32>
    %concatenate3A_321 = tpu.concatenate %slice3A_319, %slice3A_320 in 1 : vector<1024x8xf32>, vector<1024x120xf32> -> vector<1024x128xf32>
    %slice3A_322 = vector.extract_strided_slice %select_n3A_312 {offsets = [0, 8], sizes = [1024, 120], strides = [1, 1]} : vector<1024x128xf32> to vector<1024x120xf32>
    %slice3A_323 = vector.extract_strided_slice %select_n3A_312 {offsets = [0, 0], sizes = [1024, 8], strides = [1, 1]} : vector<1024x128xf32> to vector<1024x8xf32>
    %concatenate3A_324 = tpu.concatenate %slice3A_322, %slice3A_323 in 1 : vector<1024x120xf32>, vector<1024x8xf32> -> vector<1024x128xf32>
    %select_n3A_325 = arith.select %ne3A_318, %concatenate3A_321, %concatenate3A_324 : vector<1024x128xi1>, vector<1024x128xf32>
    %and3A_326 = arith.constant 32 : i32
    %and3A_327 = vector.broadcast %and3A_326 : i32 to vector<1024x128xi32>
    %and3A_328 = arith.andi %iota3A, %and3A_327 : vector<1024x128xi32>
    %eq3A_329 = arith.constant 0 : i32
    %eq3A_330 = vector.broadcast %eq3A_329 : i32 to vector<1024x128xi32>
    %eq3A_331 = arith.cmpi eq, %and3A_328, %eq3A_330 : vector<1024x128xi32>
    %not3A_332 = arith.constant dense<true> : vector<1024x128xi1>
    %not3A_333 = arith.xori %ne3A_318, %not3A_332 : vector<1024x128xi1>
    %eq3A_334 = arith.xori %eq3A_331, %not3A_333 : vector<1024x128xi1>
    %eq3A_335 = arith.constant dense<true> : vector<1024x128xi1>
    %eq3A_336 = arith.xori %eq3A_334, %eq3A_335 : vector<1024x128xi1>
    %le3A_337 = arith.cmpf ole, %select_n3A_312, %select_n3A_325 : vector<1024x128xf32>
    %eq3A_338 = arith.xori %le3A_337, %eq3A_336 : vector<1024x128xi1>
    %eq3A_339 = arith.constant dense<true> : vector<1024x128xi1>
    %eq3A_340 = arith.xori %eq3A_338, %eq3A_339 : vector<1024x128xi1>
    %select_n3A_341 = arith.select %eq3A_340, %select_n3A_312, %select_n3A_325 : vector<1024x128xi1>, vector<1024x128xf32>
    %and3A_342 = arith.constant 4 : i32
    %and3A_343 = vector.broadcast %and3A_342 : i32 to vector<1024x128xi32>
    %and3A_344 = arith.andi %iota3A, %and3A_343 : vector<1024x128xi32>
    %ne3A_345 = arith.constant 0 : i32
    %ne3A_346 = vector.broadcast %ne3A_345 : i32 to vector<1024x128xi32>
    %ne3A_347 = arith.cmpi ne, %and3A_344, %ne3A_346 : vector<1024x128xi32>
    %slice3A_348 = vector.extract_strided_slice %select_n3A_341 {offsets = [0, 124], sizes = [1024, 4], strides = [1, 1]} : vector<1024x128xf32> to vector<1024x4xf32>
    %slice3A_349 = vector.extract_strided_slice %select_n3A_341 {offsets = [0, 0], sizes = [1024, 124], strides = [1, 1]} : vector<1024x128xf32> to vector<1024x124xf32>
    %concatenate3A_350 = tpu.concatenate %slice3A_348, %slice3A_349 in 1 : vector<1024x4xf32>, vector<1024x124xf32> -> vector<1024x128xf32>
    %slice3A_351 = vector.extract_strided_slice %select_n3A_341 {offsets = [0, 4], sizes = [1024, 124], strides = [1, 1]} : vector<1024x128xf32> to vector<1024x124xf32>
    %slice3A_352 = vector.extract_strided_slice %select_n3A_341 {offsets = [0, 0], sizes = [1024, 4], strides = [1, 1]} : vector<1024x128xf32> to vector<1024x4xf32>
    %concatenate3A_353 = tpu.concatenate %slice3A_351, %slice3A_352 in 1 : vector<1024x124xf32>, vector<1024x4xf32> -> vector<1024x128xf32>
    %select_n3A_354 = arith.select %ne3A_347, %concatenate3A_350, %concatenate3A_353 : vector<1024x128xi1>, vector<1024x128xf32>
    %and3A_355 = arith.constant 32 : i32
    %and3A_356 = vector.broadcast %and3A_355 : i32 to vector<1024x128xi32>
    %and3A_357 = arith.andi %iota3A, %and3A_356 : vector<1024x128xi32>
    %eq3A_358 = arith.constant 0 : i32
    %eq3A_359 = vector.broadcast %eq3A_358 : i32 to vector<1024x128xi32>
    %eq3A_360 = arith.cmpi eq, %and3A_357, %eq3A_359 : vector<1024x128xi32>
    %not3A_361 = arith.constant dense<true> : vector<1024x128xi1>
    %not3A_362 = arith.xori %ne3A_347, %not3A_361 : vector<1024x128xi1>
    %eq3A_363 = arith.xori %eq3A_360, %not3A_362 : vector<1024x128xi1>
    %eq3A_364 = arith.constant dense<true> : vector<1024x128xi1>
    %eq3A_365 = arith.xori %eq3A_363, %eq3A_364 : vector<1024x128xi1>
    %le3A_366 = arith.cmpf ole, %select_n3A_341, %select_n3A_354 : vector<1024x128xf32>
    %eq3A_367 = arith.xori %le3A_366, %eq3A_365 : vector<1024x128xi1>
    %eq3A_368 = arith.constant dense<true> : vector<1024x128xi1>
    %eq3A_369 = arith.xori %eq3A_367, %eq3A_368 : vector<1024x128xi1>
    %select_n3A_370 = arith.select %eq3A_369, %select_n3A_341, %select_n3A_354 : vector<1024x128xi1>, vector<1024x128xf32>
    %and3A_371 = arith.constant 2 : i32
    %and3A_372 = vector.broadcast %and3A_371 : i32 to vector<1024x128xi32>
    %and3A_373 = arith.andi %iota3A, %and3A_372 : vector<1024x128xi32>
    %ne3A_374 = arith.constant 0 : i32
    %ne3A_375 = vector.broadcast %ne3A_374 : i32 to vector<1024x128xi32>
    %ne3A_376 = arith.cmpi ne, %and3A_373, %ne3A_375 : vector<1024x128xi32>
    %slice3A_377 = vector.extract_strided_slice %select_n3A_370 {offsets = [0, 126], sizes = [1024, 2], strides = [1, 1]} : vector<1024x128xf32> to vector<1024x2xf32>
    %slice3A_378 = vector.extract_strided_slice %select_n3A_370 {offsets = [0, 0], sizes = [1024, 126], strides = [1, 1]} : vector<1024x128xf32> to vector<1024x126xf32>
    %concatenate3A_379 = tpu.concatenate %slice3A_377, %slice3A_378 in 1 : vector<1024x2xf32>, vector<1024x126xf32> -> vector<1024x128xf32>
    %slice3A_380 = vector.extract_strided_slice %select_n3A_370 {offsets = [0, 2], sizes = [1024, 126], strides = [1, 1]} : vector<1024x128xf32> to vector<1024x126xf32>
    %slice3A_381 = vector.extract_strided_slice %select_n3A_370 {offsets = [0, 0], sizes = [1024, 2], strides = [1, 1]} : vector<1024x128xf32> to vector<1024x2xf32>
    %concatenate3A_382 = tpu.concatenate %slice3A_380, %slice3A_381 in 1 : vector<1024x126xf32>, vector<1024x2xf32> -> vector<1024x128xf32>
    %select_n3A_383 = arith.select %ne3A_376, %concatenate3A_379, %concatenate3A_382 : vector<1024x128xi1>, vector<1024x128xf32>
    %and3A_384 = arith.constant 32 : i32
    %and3A_385 = vector.broadcast %and3A_384 : i32 to vector<1024x128xi32>
    %and3A_386 = arith.andi %iota3A, %and3A_385 : vector<1024x128xi32>
    %eq3A_387 = arith.constant 0 : i32
    %eq3A_388 = vector.broadcast %eq3A_387 : i32 to vector<1024x128xi32>
    %eq3A_389 = arith.cmpi eq, %and3A_386, %eq3A_388 : vector<1024x128xi32>
    %not3A_390 = arith.constant dense<true> : vector<1024x128xi1>
    %not3A_391 = arith.xori %ne3A_376, %not3A_390 : vector<1024x128xi1>
    %eq3A_392 = arith.xori %eq3A_389, %not3A_391 : vector<1024x128xi1>
    %eq3A_393 = arith.constant dense<true> : vector<1024x128xi1>
    %eq3A_394 = arith.xori %eq3A_392, %eq3A_393 : vector<1024x128xi1>
    %le3A_395 = arith.cmpf ole, %select_n3A_370, %select_n3A_383 : vector<1024x128xf32>
    %eq3A_396 = arith.xori %le3A_395, %eq3A_394 : vector<1024x128xi1>
    %eq3A_397 = arith.constant dense<true> : vector<1024x128xi1>
    %eq3A_398 = arith.xori %eq3A_396, %eq3A_397 : vector<1024x128xi1>
    %select_n3A_399 = arith.select %eq3A_398, %select_n3A_370, %select_n3A_383 : vector<1024x128xi1>, vector<1024x128xf32>
    %and3A_400 = arith.constant 1 : i32
    %and3A_401 = vector.broadcast %and3A_400 : i32 to vector<1024x128xi32>
    %and3A_402 = arith.andi %iota3A, %and3A_401 : vector<1024x128xi32>
    %ne3A_403 = arith.constant 0 : i32
    %ne3A_404 = vector.broadcast %ne3A_403 : i32 to vector<1024x128xi32>
    %ne3A_405 = arith.cmpi ne, %and3A_402, %ne3A_404 : vector<1024x128xi32>
    %slice3A_406 = vector.extract_strided_slice %select_n3A_399 {offsets = [0, 127], sizes = [1024, 1], strides = [1, 1]} : vector<1024x128xf32> to vector<1024x1xf32>
    %slice3A_407 = vector.extract_strided_slice %select_n3A_399 {offsets = [0, 0], sizes = [1024, 127], strides = [1, 1]} : vector<1024x128xf32> to vector<1024x127xf32>
    %concatenate3A_408 = tpu.concatenate %slice3A_406, %slice3A_407 in 1 : vector<1024x1xf32>, vector<1024x127xf32> -> vector<1024x128xf32>
    %slice3A_409 = vector.extract_strided_slice %select_n3A_399 {offsets = [0, 1], sizes = [1024, 127], strides = [1, 1]} : vector<1024x128xf32> to vector<1024x127xf32>
    %slice3A_410 = vector.extract_strided_slice %select_n3A_399 {offsets = [0, 0], sizes = [1024, 1], strides = [1, 1]} : vector<1024x128xf32> to vector<1024x1xf32>
    %concatenate3A_411 = tpu.concatenate %slice3A_409, %slice3A_410 in 1 : vector<1024x127xf32>, vector<1024x1xf32> -> vector<1024x128xf32>
    %select_n3A_412 = arith.select %ne3A_405, %concatenate3A_408, %concatenate3A_411 : vector<1024x128xi1>, vector<1024x128xf32>
    %and3A_413 = arith.constant 32 : i32
    %and3A_414 = vector.broadcast %and3A_413 : i32 to vector<1024x128xi32>
    %and3A_415 = arith.andi %iota3A, %and3A_414 : vector<1024x128xi32>
    %eq3A_416 = arith.constant 0 : i32
    %eq3A_417 = vector.broadcast %eq3A_416 : i32 to vector<1024x128xi32>
    %eq3A_418 = arith.cmpi eq, %and3A_415, %eq3A_417 : vector<1024x128xi32>
    %not3A_419 = arith.constant dense<true> : vector<1024x128xi1>
    %not3A_420 = arith.xori %ne3A_405, %not3A_419 : vector<1024x128xi1>
    %eq3A_421 = arith.xori %eq3A_418, %not3A_420 : vector<1024x128xi1>
    %eq3A_422 = arith.constant dense<true> : vector<1024x128xi1>
    %eq3A_423 = arith.xori %eq3A_421, %eq3A_422 : vector<1024x128xi1>
    %le3A_424 = arith.cmpf ole, %select_n3A_399, %select_n3A_412 : vector<1024x128xf32>
    %eq3A_425 = arith.xori %le3A_424, %eq3A_423 : vector<1024x128xi1>
    %eq3A_426 = arith.constant dense<true> : vector<1024x128xi1>
    %eq3A_427 = arith.xori %eq3A_425, %eq3A_426 : vector<1024x128xi1>
    %select_n3A_428 = arith.select %eq3A_427, %select_n3A_399, %select_n3A_412 : vector<1024x128xi1>, vector<1024x128xf32>
    %and3A_429 = arith.constant 32 : i32
    %and3A_430 = vector.broadcast %and3A_429 : i32 to vector<1024x128xi32>
    %and3A_431 = arith.andi %iota3A, %and3A_430 : vector<1024x128xi32>
    %ne3A_432 = arith.constant 0 : i32
    %ne3A_433 = vector.broadcast %ne3A_432 : i32 to vector<1024x128xi32>
    %ne3A_434 = arith.cmpi ne, %and3A_431, %ne3A_433 : vector<1024x128xi32>
    %slice3A_435 = vector.extract_strided_slice %select_n3A_428 {offsets = [0, 96], sizes = [1024, 32], strides = [1, 1]} : vector<1024x128xf32> to vector<1024x32xf32>
    %slice3A_436 = vector.extract_strided_slice %select_n3A_428 {offsets = [0, 0], sizes = [1024, 96], strides = [1, 1]} : vector<1024x128xf32> to vector<1024x96xf32>
    %concatenate3A_437 = tpu.concatenate %slice3A_435, %slice3A_436 in 1 : vector<1024x32xf32>, vector<1024x96xf32> -> vector<1024x128xf32>
    %slice3A_438 = vector.extract_strided_slice %select_n3A_428 {offsets = [0, 32], sizes = [1024, 96], strides = [1, 1]} : vector<1024x128xf32> to vector<1024x96xf32>
    %slice3A_439 = vector.extract_strided_slice %select_n3A_428 {offsets = [0, 0], sizes = [1024, 32], strides = [1, 1]} : vector<1024x128xf32> to vector<1024x32xf32>
    %concatenate3A_440 = tpu.concatenate %slice3A_438, %slice3A_439 in 1 : vector<1024x96xf32>, vector<1024x32xf32> -> vector<1024x128xf32>
    %select_n3A_441 = arith.select %ne3A_434, %concatenate3A_437, %concatenate3A_440 : vector<1024x128xi1>, vector<1024x128xf32>
    %and3A_442 = arith.constant 64 : i32
    %and3A_443 = vector.broadcast %and3A_442 : i32 to vector<1024x128xi32>
    %and3A_444 = arith.andi %iota3A, %and3A_443 : vector<1024x128xi32>
    %eq3A_445 = arith.constant 0 : i32
    %eq3A_446 = vector.broadcast %eq3A_445 : i32 to vector<1024x128xi32>
    %eq3A_447 = arith.cmpi eq, %and3A_444, %eq3A_446 : vector<1024x128xi32>
    %not3A_448 = arith.constant dense<true> : vector<1024x128xi1>
    %not3A_449 = arith.xori %ne3A_434, %not3A_448 : vector<1024x128xi1>
    %eq3A_450 = arith.xori %eq3A_447, %not3A_449 : vector<1024x128xi1>
    %eq3A_451 = arith.constant dense<true> : vector<1024x128xi1>
    %eq3A_452 = arith.xori %eq3A_450, %eq3A_451 : vector<1024x128xi1>
    %le3A_453 = arith.cmpf ole, %select_n3A_428, %select_n3A_441 : vector<1024x128xf32>
    %eq3A_454 = arith.xori %le3A_453, %eq3A_452 : vector<1024x128xi1>
    %eq3A_455 = arith.constant dense<true> : vector<1024x128xi1>
    %eq3A_456 = arith.xori %eq3A_454, %eq3A_455 : vector<1024x128xi1>
    %select_n3A_457 = arith.select %eq3A_456, %select_n3A_428, %select_n3A_441 : vector<1024x128xi1>, vector<1024x128xf32>
    %and3A_458 = arith.constant 16 : i32
    %and3A_459 = vector.broadcast %and3A_458 : i32 to vector<1024x128xi32>
    %and3A_460 = arith.andi %iota3A, %and3A_459 : vector<1024x128xi32>
    %ne3A_461 = arith.constant 0 : i32
    %ne3A_462 = vector.broadcast %ne3A_461 : i32 to vector<1024x128xi32>
    %ne3A_463 = arith.cmpi ne, %and3A_460, %ne3A_462 : vector<1024x128xi32>
    %slice3A_464 = vector.extract_strided_slice %select_n3A_457 {offsets = [0, 112], sizes = [1024, 16], strides = [1, 1]} : vector<1024x128xf32> to vector<1024x16xf32>
    %slice3A_465 = vector.extract_strided_slice %select_n3A_457 {offsets = [0, 0], sizes = [1024, 112], strides = [1, 1]} : vector<1024x128xf32> to vector<1024x112xf32>
    %concatenate3A_466 = tpu.concatenate %slice3A_464, %slice3A_465 in 1 : vector<1024x16xf32>, vector<1024x112xf32> -> vector<1024x128xf32>
    %slice3A_467 = vector.extract_strided_slice %select_n3A_457 {offsets = [0, 16], sizes = [1024, 112], strides = [1, 1]} : vector<1024x128xf32> to vector<1024x112xf32>
    %slice3A_468 = vector.extract_strided_slice %select_n3A_457 {offsets = [0, 0], sizes = [1024, 16], strides = [1, 1]} : vector<1024x128xf32> to vector<1024x16xf32>
    %concatenate3A_469 = tpu.concatenate %slice3A_467, %slice3A_468 in 1 : vector<1024x112xf32>, vector<1024x16xf32> -> vector<1024x128xf32>
    %select_n3A_470 = arith.select %ne3A_463, %concatenate3A_466, %concatenate3A_469 : vector<1024x128xi1>, vector<1024x128xf32>
    %and3A_471 = arith.constant 64 : i32
    %and3A_472 = vector.broadcast %and3A_471 : i32 to vector<1024x128xi32>
    %and3A_473 = arith.andi %iota3A, %and3A_472 : vector<1024x128xi32>
    %eq3A_474 = arith.constant 0 : i32
    %eq3A_475 = vector.broadcast %eq3A_474 : i32 to vector<1024x128xi32>
    %eq3A_476 = arith.cmpi eq, %and3A_473, %eq3A_475 : vector<1024x128xi32>
    %not3A_477 = arith.constant dense<true> : vector<1024x128xi1>
    %not3A_478 = arith.xori %ne3A_463, %not3A_477 : vector<1024x128xi1>
    %eq3A_479 = arith.xori %eq3A_476, %not3A_478 : vector<1024x128xi1>
    %eq3A_480 = arith.constant dense<true> : vector<1024x128xi1>
    %eq3A_481 = arith.xori %eq3A_479, %eq3A_480 : vector<1024x128xi1>
    %le3A_482 = arith.cmpf ole, %select_n3A_457, %select_n3A_470 : vector<1024x128xf32>
    %eq3A_483 = arith.xori %le3A_482, %eq3A_481 : vector<1024x128xi1>
    %eq3A_484 = arith.constant dense<true> : vector<1024x128xi1>
    %eq3A_485 = arith.xori %eq3A_483, %eq3A_484 : vector<1024x128xi1>
    %select_n3A_486 = arith.select %eq3A_485, %select_n3A_457, %select_n3A_470 : vector<1024x128xi1>, vector<1024x128xf32>
    %and3A_487 = arith.constant 8 : i32
    %and3A_488 = vector.broadcast %and3A_487 : i32 to vector<1024x128xi32>
    %and3A_489 = arith.andi %iota3A, %and3A_488 : vector<1024x128xi32>
    %ne3A_490 = arith.constant 0 : i32
    %ne3A_491 = vector.broadcast %ne3A_490 : i32 to vector<1024x128xi32>
    %ne3A_492 = arith.cmpi ne, %and3A_489, %ne3A_491 : vector<1024x128xi32>
    %slice3A_493 = vector.extract_strided_slice %select_n3A_486 {offsets = [0, 120], sizes = [1024, 8], strides = [1, 1]} : vector<1024x128xf32> to vector<1024x8xf32>
    %slice3A_494 = vector.extract_strided_slice %select_n3A_486 {offsets = [0, 0], sizes = [1024, 120], strides = [1, 1]} : vector<1024x128xf32> to vector<1024x120xf32>
    %concatenate3A_495 = tpu.concatenate %slice3A_493, %slice3A_494 in 1 : vector<1024x8xf32>, vector<1024x120xf32> -> vector<1024x128xf32>
    %slice3A_496 = vector.extract_strided_slice %select_n3A_486 {offsets = [0, 8], sizes = [1024, 120], strides = [1, 1]} : vector<1024x128xf32> to vector<1024x120xf32>
    %slice3A_497 = vector.extract_strided_slice %select_n3A_486 {offsets = [0, 0], sizes = [1024, 8], strides = [1, 1]} : vector<1024x128xf32> to vector<1024x8xf32>
    %concatenate3A_498 = tpu.concatenate %slice3A_496, %slice3A_497 in 1 : vector<1024x120xf32>, vector<1024x8xf32> -> vector<1024x128xf32>
    %select_n3A_499 = arith.select %ne3A_492, %concatenate3A_495, %concatenate3A_498 : vector<1024x128xi1>, vector<1024x128xf32>
    %and3A_500 = arith.constant 64 : i32
    %and3A_501 = vector.broadcast %and3A_500 : i32 to vector<1024x128xi32>
    %and3A_502 = arith.andi %iota3A, %and3A_501 : vector<1024x128xi32>
    %eq3A_503 = arith.constant 0 : i32
    %eq3A_504 = vector.broadcast %eq3A_503 : i32 to vector<1024x128xi32>
    %eq3A_505 = arith.cmpi eq, %and3A_502, %eq3A_504 : vector<1024x128xi32>
    %not3A_506 = arith.constant dense<true> : vector<1024x128xi1>
    %not3A_507 = arith.xori %ne3A_492, %not3A_506 : vector<1024x128xi1>
    %eq3A_508 = arith.xori %eq3A_505, %not3A_507 : vector<1024x128xi1>
    %eq3A_509 = arith.constant dense<true> : vector<1024x128xi1>
    %eq3A_510 = arith.xori %eq3A_508, %eq3A_509 : vector<1024x128xi1>
    %le3A_511 = arith.cmpf ole, %select_n3A_486, %select_n3A_499 : vector<1024x128xf32>
    %eq3A_512 = arith.xori %le3A_511, %eq3A_510 : vector<1024x128xi1>
    %eq3A_513 = arith.constant dense<true> : vector<1024x128xi1>
    %eq3A_514 = arith.xori %eq3A_512, %eq3A_513 : vector<1024x128xi1>
    %select_n3A_515 = arith.select %eq3A_514, %select_n3A_486, %select_n3A_499 : vector<1024x128xi1>, vector<1024x128xf32>
    %and3A_516 = arith.constant 4 : i32
    %and3A_517 = vector.broadcast %and3A_516 : i32 to vector<1024x128xi32>
    %and3A_518 = arith.andi %iota3A, %and3A_517 : vector<1024x128xi32>
    %ne3A_519 = arith.constant 0 : i32
    %ne3A_520 = vector.broadcast %ne3A_519 : i32 to vector<1024x128xi32>
    %ne3A_521 = arith.cmpi ne, %and3A_518, %ne3A_520 : vector<1024x128xi32>
    %slice3A_522 = vector.extract_strided_slice %select_n3A_515 {offsets = [0, 124], sizes = [1024, 4], strides = [1, 1]} : vector<1024x128xf32> to vector<1024x4xf32>
    %slice3A_523 = vector.extract_strided_slice %select_n3A_515 {offsets = [0, 0], sizes = [1024, 124], strides = [1, 1]} : vector<1024x128xf32> to vector<1024x124xf32>
    %concatenate3A_524 = tpu.concatenate %slice3A_522, %slice3A_523 in 1 : vector<1024x4xf32>, vector<1024x124xf32> -> vector<1024x128xf32>
    %slice3A_525 = vector.extract_strided_slice %select_n3A_515 {offsets = [0, 4], sizes = [1024, 124], strides = [1, 1]} : vector<1024x128xf32> to vector<1024x124xf32>
    %slice3A_526 = vector.extract_strided_slice %select_n3A_515 {offsets = [0, 0], sizes = [1024, 4], strides = [1, 1]} : vector<1024x128xf32> to vector<1024x4xf32>
    %concatenate3A_527 = tpu.concatenate %slice3A_525, %slice3A_526 in 1 : vector<1024x124xf32>, vector<1024x4xf32> -> vector<1024x128xf32>
    %select_n3A_528 = arith.select %ne3A_521, %concatenate3A_524, %concatenate3A_527 : vector<1024x128xi1>, vector<1024x128xf32>
    %and3A_529 = arith.constant 64 : i32
    %and3A_530 = vector.broadcast %and3A_529 : i32 to vector<1024x128xi32>
    %and3A_531 = arith.andi %iota3A, %and3A_530 : vector<1024x128xi32>
    %eq3A_532 = arith.constant 0 : i32
    %eq3A_533 = vector.broadcast %eq3A_532 : i32 to vector<1024x128xi32>
    %eq3A_534 = arith.cmpi eq, %and3A_531, %eq3A_533 : vector<1024x128xi32>
    %not3A_535 = arith.constant dense<true> : vector<1024x128xi1>
    %not3A_536 = arith.xori %ne3A_521, %not3A_535 : vector<1024x128xi1>
    %eq3A_537 = arith.xori %eq3A_534, %not3A_536 : vector<1024x128xi1>
    %eq3A_538 = arith.constant dense<true> : vector<1024x128xi1>
    %eq3A_539 = arith.xori %eq3A_537, %eq3A_538 : vector<1024x128xi1>
    %le3A_540 = arith.cmpf ole, %select_n3A_515, %select_n3A_528 : vector<1024x128xf32>
    %eq3A_541 = arith.xori %le3A_540, %eq3A_539 : vector<1024x128xi1>
    %eq3A_542 = arith.constant dense<true> : vector<1024x128xi1>
    %eq3A_543 = arith.xori %eq3A_541, %eq3A_542 : vector<1024x128xi1>
    %select_n3A_544 = arith.select %eq3A_543, %select_n3A_515, %select_n3A_528 : vector<1024x128xi1>, vector<1024x128xf32>
    %and3A_545 = arith.constant 2 : i32
    %and3A_546 = vector.broadcast %and3A_545 : i32 to vector<1024x128xi32>
    %and3A_547 = arith.andi %iota3A, %and3A_546 : vector<1024x128xi32>
    %ne3A_548 = arith.constant 0 : i32
    %ne3A_549 = vector.broadcast %ne3A_548 : i32 to vector<1024x128xi32>
    %ne3A_550 = arith.cmpi ne, %and3A_547, %ne3A_549 : vector<1024x128xi32>
    %slice3A_551 = vector.extract_strided_slice %select_n3A_544 {offsets = [0, 126], sizes = [1024, 2], strides = [1, 1]} : vector<1024x128xf32> to vector<1024x2xf32>
    %slice3A_552 = vector.extract_strided_slice %select_n3A_544 {offsets = [0, 0], sizes = [1024, 126], strides = [1, 1]} : vector<1024x128xf32> to vector<1024x126xf32>
    %concatenate3A_553 = tpu.concatenate %slice3A_551, %slice3A_552 in 1 : vector<1024x2xf32>, vector<1024x126xf32> -> vector<1024x128xf32>
    %slice3A_554 = vector.extract_strided_slice %select_n3A_544 {offsets = [0, 2], sizes = [1024, 126], strides = [1, 1]} : vector<1024x128xf32> to vector<1024x126xf32>
    %slice3A_555 = vector.extract_strided_slice %select_n3A_544 {offsets = [0, 0], sizes = [1024, 2], strides = [1, 1]} : vector<1024x128xf32> to vector<1024x2xf32>
    %concatenate3A_556 = tpu.concatenate %slice3A_554, %slice3A_555 in 1 : vector<1024x126xf32>, vector<1024x2xf32> -> vector<1024x128xf32>
    %select_n3A_557 = arith.select %ne3A_550, %concatenate3A_553, %concatenate3A_556 : vector<1024x128xi1>, vector<1024x128xf32>
    %and3A_558 = arith.constant 64 : i32
    %and3A_559 = vector.broadcast %and3A_558 : i32 to vector<1024x128xi32>
    %and3A_560 = arith.andi %iota3A, %and3A_559 : vector<1024x128xi32>
    %eq3A_561 = arith.constant 0 : i32
    %eq3A_562 = vector.broadcast %eq3A_561 : i32 to vector<1024x128xi32>
    %eq3A_563 = arith.cmpi eq, %and3A_560, %eq3A_562 : vector<1024x128xi32>
    %not3A_564 = arith.constant dense<true> : vector<1024x128xi1>
    %not3A_565 = arith.xori %ne3A_550, %not3A_564 : vector<1024x128xi1>
    %eq3A_566 = arith.xori %eq3A_563, %not3A_565 : vector<1024x128xi1>
    %eq3A_567 = arith.constant dense<true> : vector<1024x128xi1>
    %eq3A_568 = arith.xori %eq3A_566, %eq3A_567 : vector<1024x128xi1>
    %le3A_569 = arith.cmpf ole, %select_n3A_544, %select_n3A_557 : vector<1024x128xf32>
    %eq3A_570 = arith.xori %le3A_569, %eq3A_568 : vector<1024x128xi1>
    %eq3A_571 = arith.constant dense<true> : vector<1024x128xi1>
    %eq3A_572 = arith.xori %eq3A_570, %eq3A_571 : vector<1024x128xi1>
    %select_n3A_573 = arith.select %eq3A_572, %select_n3A_544, %select_n3A_557 : vector<1024x128xi1>, vector<1024x128xf32>
    %and3A_574 = arith.constant 1 : i32
    %and3A_575 = vector.broadcast %and3A_574 : i32 to vector<1024x128xi32>
    %and3A_576 = arith.andi %iota3A, %and3A_575 : vector<1024x128xi32>
    %ne3A_577 = arith.constant 0 : i32
    %ne3A_578 = vector.broadcast %ne3A_577 : i32 to vector<1024x128xi32>
    %ne3A_579 = arith.cmpi ne, %and3A_576, %ne3A_578 : vector<1024x128xi32>
    %slice3A_580 = vector.extract_strided_slice %select_n3A_573 {offsets = [0, 127], sizes = [1024, 1], strides = [1, 1]} : vector<1024x128xf32> to vector<1024x1xf32>
    %slice3A_581 = vector.extract_strided_slice %select_n3A_573 {offsets = [0, 0], sizes = [1024, 127], strides = [1, 1]} : vector<1024x128xf32> to vector<1024x127xf32>
    %concatenate3A_582 = tpu.concatenate %slice3A_580, %slice3A_581 in 1 : vector<1024x1xf32>, vector<1024x127xf32> -> vector<1024x128xf32>
    %slice3A_583 = vector.extract_strided_slice %select_n3A_573 {offsets = [0, 1], sizes = [1024, 127], strides = [1, 1]} : vector<1024x128xf32> to vector<1024x127xf32>
    %slice3A_584 = vector.extract_strided_slice %select_n3A_573 {offsets = [0, 0], sizes = [1024, 1], strides = [1, 1]} : vector<1024x128xf32> to vector<1024x1xf32>
    %concatenate3A_585 = tpu.concatenate %slice3A_583, %slice3A_584 in 1 : vector<1024x127xf32>, vector<1024x1xf32> -> vector<1024x128xf32>
    %select_n3A_586 = arith.select %ne3A_579, %concatenate3A_582, %concatenate3A_585 : vector<1024x128xi1>, vector<1024x128xf32>
    %and3A_587 = arith.constant 64 : i32
    %and3A_588 = vector.broadcast %and3A_587 : i32 to vector<1024x128xi32>
    %and3A_589 = arith.andi %iota3A, %and3A_588 : vector<1024x128xi32>
    %eq3A_590 = arith.constant 0 : i32
    %eq3A_591 = vector.broadcast %eq3A_590 : i32 to vector<1024x128xi32>
    %eq3A_592 = arith.cmpi eq, %and3A_589, %eq3A_591 : vector<1024x128xi32>
    %not3A_593 = arith.constant dense<true> : vector<1024x128xi1>
    %not3A_594 = arith.xori %ne3A_579, %not3A_593 : vector<1024x128xi1>
    %eq3A_595 = arith.xori %eq3A_592, %not3A_594 : vector<1024x128xi1>
    %eq3A_596 = arith.constant dense<true> : vector<1024x128xi1>
    %eq3A_597 = arith.xori %eq3A_595, %eq3A_596 : vector<1024x128xi1>
    %le3A_598 = arith.cmpf ole, %select_n3A_573, %select_n3A_586 : vector<1024x128xf32>
    %eq3A_599 = arith.xori %le3A_598, %eq3A_597 : vector<1024x128xi1>
    %eq3A_600 = arith.constant dense<true> : vector<1024x128xi1>
    %eq3A_601 = arith.xori %eq3A_599, %eq3A_600 : vector<1024x128xi1>
    %select_n3A_602 = arith.select %eq3A_601, %select_n3A_573, %select_n3A_586 : vector<1024x128xi1>, vector<1024x128xf32>
    %and3A_603 = arith.constant 64 : i32
    %and3A_604 = vector.broadcast %and3A_603 : i32 to vector<1024x128xi32>
    %and3A_605 = arith.andi %iota3A, %and3A_604 : vector<1024x128xi32>
    %ne3A_606 = arith.constant 0 : i32
    %ne3A_607 = vector.broadcast %ne3A_606 : i32 to vector<1024x128xi32>
    %ne3A_608 = arith.cmpi ne, %and3A_605, %ne3A_607 : vector<1024x128xi32>
    %slice3A_609 = vector.extract_strided_slice %select_n3A_602 {offsets = [0, 64], sizes = [1024, 64], strides = [1, 1]} : vector<1024x128xf32> to vector<1024x64xf32>
    %slice3A_610 = vector.extract_strided_slice %select_n3A_602 {offsets = [0, 0], sizes = [1024, 64], strides = [1, 1]} : vector<1024x128xf32> to vector<1024x64xf32>
    %concatenate3A_611 = tpu.concatenate %slice3A_609, %slice3A_610 in 1 : vector<1024x64xf32>, vector<1024x64xf32> -> vector<1024x128xf32>
    %slice3A_612 = vector.extract_strided_slice %select_n3A_602 {offsets = [0, 64], sizes = [1024, 64], strides = [1, 1]} : vector<1024x128xf32> to vector<1024x64xf32>
    %slice3A_613 = vector.extract_strided_slice %select_n3A_602 {offsets = [0, 0], sizes = [1024, 64], strides = [1, 1]} : vector<1024x128xf32> to vector<1024x64xf32>
    %concatenate3A_614 = tpu.concatenate %slice3A_612, %slice3A_613 in 1 : vector<1024x64xf32>, vector<1024x64xf32> -> vector<1024x128xf32>
    %select_n3A_615 = arith.select %ne3A_608, %concatenate3A_611, %concatenate3A_614 : vector<1024x128xi1>, vector<1024x128xf32>
    %and3A_616 = arith.constant 128 : i32
    %and3A_617 = vector.broadcast %and3A_616 : i32 to vector<1024x128xi32>
    %and3A_618 = arith.andi %iota3A, %and3A_617 : vector<1024x128xi32>
    %eq3A_619 = arith.constant 0 : i32
    %eq3A_620 = vector.broadcast %eq3A_619 : i32 to vector<1024x128xi32>
    %eq3A_621 = arith.cmpi eq, %and3A_618, %eq3A_620 : vector<1024x128xi32>
    %not3A_622 = arith.constant dense<true> : vector<1024x128xi1>
    %not3A_623 = arith.xori %ne3A_608, %not3A_622 : vector<1024x128xi1>
    %eq3A_624 = arith.xori %eq3A_621, %not3A_623 : vector<1024x128xi1>
    %eq3A_625 = arith.constant dense<true> : vector<1024x128xi1>
    %eq3A_626 = arith.xori %eq3A_624, %eq3A_625 : vector<1024x128xi1>
    %le3A_627 = arith.cmpf ole, %select_n3A_602, %select_n3A_615 : vector<1024x128xf32>
    %eq3A_628 = arith.xori %le3A_627, %eq3A_626 : vector<1024x128xi1>
    %eq3A_629 = arith.constant dense<true> : vector<1024x128xi1>
    %eq3A_630 = arith.xori %eq3A_628, %eq3A_629 : vector<1024x128xi1>
    %select_n3A_631 = arith.select %eq3A_630, %select_n3A_602, %select_n3A_615 : vector<1024x128xi1>, vector<1024x128xf32>
    %and3A_632 = arith.constant 32 : i32
    %and3A_633 = vector.broadcast %and3A_632 : i32 to vector<1024x128xi32>
    %and3A_634 = arith.andi %iota3A, %and3A_633 : vector<1024x128xi32>
    %ne3A_635 = arith.constant 0 : i32
    %ne3A_636 = vector.broadcast %ne3A_635 : i32 to vector<1024x128xi32>
    %ne3A_637 = arith.cmpi ne, %and3A_634, %ne3A_636 : vector<1024x128xi32>
    %slice3A_638 = vector.extract_strided_slice %select_n3A_631 {offsets = [0, 96], sizes = [1024, 32], strides = [1, 1]} : vector<1024x128xf32> to vector<1024x32xf32>
    %slice3A_639 = vector.extract_strided_slice %select_n3A_631 {offsets = [0, 0], sizes = [1024, 96], strides = [1, 1]} : vector<1024x128xf32> to vector<1024x96xf32>
    %concatenate3A_640 = tpu.concatenate %slice3A_638, %slice3A_639 in 1 : vector<1024x32xf32>, vector<1024x96xf32> -> vector<1024x128xf32>
    %slice3A_641 = vector.extract_strided_slice %select_n3A_631 {offsets = [0, 32], sizes = [1024, 96], strides = [1, 1]} : vector<1024x128xf32> to vector<1024x96xf32>
    %slice3A_642 = vector.extract_strided_slice %select_n3A_631 {offsets = [0, 0], sizes = [1024, 32], strides = [1, 1]} : vector<1024x128xf32> to vector<1024x32xf32>
    %concatenate3A_643 = tpu.concatenate %slice3A_641, %slice3A_642 in 1 : vector<1024x96xf32>, vector<1024x32xf32> -> vector<1024x128xf32>
    %select_n3A_644 = arith.select %ne3A_637, %concatenate3A_640, %concatenate3A_643 : vector<1024x128xi1>, vector<1024x128xf32>
    %and3A_645 = arith.constant 128 : i32
    %and3A_646 = vector.broadcast %and3A_645 : i32 to vector<1024x128xi32>
    %and3A_647 = arith.andi %iota3A, %and3A_646 : vector<1024x128xi32>
    %eq3A_648 = arith.constant 0 : i32
    %eq3A_649 = vector.broadcast %eq3A_648 : i32 to vector<1024x128xi32>
    %eq3A_650 = arith.cmpi eq, %and3A_647, %eq3A_649 : vector<1024x128xi32>
    %not3A_651 = arith.constant dense<true> : vector<1024x128xi1>
    %not3A_652 = arith.xori %ne3A_637, %not3A_651 : vector<1024x128xi1>
    %eq3A_653 = arith.xori %eq3A_650, %not3A_652 : vector<1024x128xi1>
    %eq3A_654 = arith.constant dense<true> : vector<1024x128xi1>
    %eq3A_655 = arith.xori %eq3A_653, %eq3A_654 : vector<1024x128xi1>
    %le3A_656 = arith.cmpf ole, %select_n3A_631, %select_n3A_644 : vector<1024x128xf32>
    %eq3A_657 = arith.xori %le3A_656, %eq3A_655 : vector<1024x128xi1>
    %eq3A_658 = arith.constant dense<true> : vector<1024x128xi1>
    %eq3A_659 = arith.xori %eq3A_657, %eq3A_658 : vector<1024x128xi1>
    %select_n3A_660 = arith.select %eq3A_659, %select_n3A_631, %select_n3A_644 : vector<1024x128xi1>, vector<1024x128xf32>
    %and3A_661 = arith.constant 16 : i32
    %and3A_662 = vector.broadcast %and3A_661 : i32 to vector<1024x128xi32>
    %and3A_663 = arith.andi %iota3A, %and3A_662 : vector<1024x128xi32>
    %ne3A_664 = arith.constant 0 : i32
    %ne3A_665 = vector.broadcast %ne3A_664 : i32 to vector<1024x128xi32>
    %ne3A_666 = arith.cmpi ne, %and3A_663, %ne3A_665 : vector<1024x128xi32>
    %slice3A_667 = vector.extract_strided_slice %select_n3A_660 {offsets = [0, 112], sizes = [1024, 16], strides = [1, 1]} : vector<1024x128xf32> to vector<1024x16xf32>
    %slice3A_668 = vector.extract_strided_slice %select_n3A_660 {offsets = [0, 0], sizes = [1024, 112], strides = [1, 1]} : vector<1024x128xf32> to vector<1024x112xf32>
    %concatenate3A_669 = tpu.concatenate %slice3A_667, %slice3A_668 in 1 : vector<1024x16xf32>, vector<1024x112xf32> -> vector<1024x128xf32>
    %slice3A_670 = vector.extract_strided_slice %select_n3A_660 {offsets = [0, 16], sizes = [1024, 112], strides = [1, 1]} : vector<1024x128xf32> to vector<1024x112xf32>
    %slice3A_671 = vector.extract_strided_slice %select_n3A_660 {offsets = [0, 0], sizes = [1024, 16], strides = [1, 1]} : vector<1024x128xf32> to vector<1024x16xf32>
    %concatenate3A_672 = tpu.concatenate %slice3A_670, %slice3A_671 in 1 : vector<1024x112xf32>, vector<1024x16xf32> -> vector<1024x128xf32>
    %select_n3A_673 = arith.select %ne3A_666, %concatenate3A_669, %concatenate3A_672 : vector<1024x128xi1>, vector<1024x128xf32>
    %and3A_674 = arith.constant 128 : i32
    %and3A_675 = vector.broadcast %and3A_674 : i32 to vector<1024x128xi32>
    %and3A_676 = arith.andi %iota3A, %and3A_675 : vector<1024x128xi32>
    %eq3A_677 = arith.constant 0 : i32
    %eq3A_678 = vector.broadcast %eq3A_677 : i32 to vector<1024x128xi32>
    %eq3A_679 = arith.cmpi eq, %and3A_676, %eq3A_678 : vector<1024x128xi32>
    %not3A_680 = arith.constant dense<true> : vector<1024x128xi1>
    %not3A_681 = arith.xori %ne3A_666, %not3A_680 : vector<1024x128xi1>
    %eq3A_682 = arith.xori %eq3A_679, %not3A_681 : vector<1024x128xi1>
    %eq3A_683 = arith.constant dense<true> : vector<1024x128xi1>
    %eq3A_684 = arith.xori %eq3A_682, %eq3A_683 : vector<1024x128xi1>
    %le3A_685 = arith.cmpf ole, %select_n3A_660, %select_n3A_673 : vector<1024x128xf32>
    %eq3A_686 = arith.xori %le3A_685, %eq3A_684 : vector<1024x128xi1>
    %eq3A_687 = arith.constant dense<true> : vector<1024x128xi1>
    %eq3A_688 = arith.xori %eq3A_686, %eq3A_687 : vector<1024x128xi1>
    %select_n3A_689 = arith.select %eq3A_688, %select_n3A_660, %select_n3A_673 : vector<1024x128xi1>, vector<1024x128xf32>
    %and3A_690 = arith.constant 8 : i32
    %and3A_691 = vector.broadcast %and3A_690 : i32 to vector<1024x128xi32>
    %and3A_692 = arith.andi %iota3A, %and3A_691 : vector<1024x128xi32>
    %ne3A_693 = arith.constant 0 : i32
    %ne3A_694 = vector.broadcast %ne3A_693 : i32 to vector<1024x128xi32>
    %ne3A_695 = arith.cmpi ne, %and3A_692, %ne3A_694 : vector<1024x128xi32>
    %slice3A_696 = vector.extract_strided_slice %select_n3A_689 {offsets = [0, 120], sizes = [1024, 8], strides = [1, 1]} : vector<1024x128xf32> to vector<1024x8xf32>
    %slice3A_697 = vector.extract_strided_slice %select_n3A_689 {offsets = [0, 0], sizes = [1024, 120], strides = [1, 1]} : vector<1024x128xf32> to vector<1024x120xf32>
    %concatenate3A_698 = tpu.concatenate %slice3A_696, %slice3A_697 in 1 : vector<1024x8xf32>, vector<1024x120xf32> -> vector<1024x128xf32>
    %slice3A_699 = vector.extract_strided_slice %select_n3A_689 {offsets = [0, 8], sizes = [1024, 120], strides = [1, 1]} : vector<1024x128xf32> to vector<1024x120xf32>
    %slice3A_700 = vector.extract_strided_slice %select_n3A_689 {offsets = [0, 0], sizes = [1024, 8], strides = [1, 1]} : vector<1024x128xf32> to vector<1024x8xf32>
    %concatenate3A_701 = tpu.concatenate %slice3A_699, %slice3A_700 in 1 : vector<1024x120xf32>, vector<1024x8xf32> -> vector<1024x128xf32>
    %select_n3A_702 = arith.select %ne3A_695, %concatenate3A_698, %concatenate3A_701 : vector<1024x128xi1>, vector<1024x128xf32>
    %and3A_703 = arith.constant 128 : i32
    %and3A_704 = vector.broadcast %and3A_703 : i32 to vector<1024x128xi32>
    %and3A_705 = arith.andi %iota3A, %and3A_704 : vector<1024x128xi32>
    %eq3A_706 = arith.constant 0 : i32
    %eq3A_707 = vector.broadcast %eq3A_706 : i32 to vector<1024x128xi32>
    %eq3A_708 = arith.cmpi eq, %and3A_705, %eq3A_707 : vector<1024x128xi32>
    %not3A_709 = arith.constant dense<true> : vector<1024x128xi1>
    %not3A_710 = arith.xori %ne3A_695, %not3A_709 : vector<1024x128xi1>
    %eq3A_711 = arith.xori %eq3A_708, %not3A_710 : vector<1024x128xi1>
    %eq3A_712 = arith.constant dense<true> : vector<1024x128xi1>
    %eq3A_713 = arith.xori %eq3A_711, %eq3A_712 : vector<1024x128xi1>
    %le3A_714 = arith.cmpf ole, %select_n3A_689, %select_n3A_702 : vector<1024x128xf32>
    %eq3A_715 = arith.xori %le3A_714, %eq3A_713 : vector<1024x128xi1>
    %eq3A_716 = arith.constant dense<true> : vector<1024x128xi1>
    %eq3A_717 = arith.xori %eq3A_715, %eq3A_716 : vector<1024x128xi1>
    %select_n3A_718 = arith.select %eq3A_717, %select_n3A_689, %select_n3A_702 : vector<1024x128xi1>, vector<1024x128xf32>
    %and3A_719 = arith.constant 4 : i32
    %and3A_720 = vector.broadcast %and3A_719 : i32 to vector<1024x128xi32>
    %and3A_721 = arith.andi %iota3A, %and3A_720 : vector<1024x128xi32>
    %ne3A_722 = arith.constant 0 : i32
    %ne3A_723 = vector.broadcast %ne3A_722 : i32 to vector<1024x128xi32>
    %ne3A_724 = arith.cmpi ne, %and3A_721, %ne3A_723 : vector<1024x128xi32>
    %slice3A_725 = vector.extract_strided_slice %select_n3A_718 {offsets = [0, 124], sizes = [1024, 4], strides = [1, 1]} : vector<1024x128xf32> to vector<1024x4xf32>
    %slice3A_726 = vector.extract_strided_slice %select_n3A_718 {offsets = [0, 0], sizes = [1024, 124], strides = [1, 1]} : vector<1024x128xf32> to vector<1024x124xf32>
    %concatenate3A_727 = tpu.concatenate %slice3A_725, %slice3A_726 in 1 : vector<1024x4xf32>, vector<1024x124xf32> -> vector<1024x128xf32>
    %slice3A_728 = vector.extract_strided_slice %select_n3A_718 {offsets = [0, 4], sizes = [1024, 124], strides = [1, 1]} : vector<1024x128xf32> to vector<1024x124xf32>
    %slice3A_729 = vector.extract_strided_slice %select_n3A_718 {offsets = [0, 0], sizes = [1024, 4], strides = [1, 1]} : vector<1024x128xf32> to vector<1024x4xf32>
    %concatenate3A_730 = tpu.concatenate %slice3A_728, %slice3A_729 in 1 : vector<1024x124xf32>, vector<1024x4xf32> -> vector<1024x128xf32>
    %select_n3A_731 = arith.select %ne3A_724, %concatenate3A_727, %concatenate3A_730 : vector<1024x128xi1>, vector<1024x128xf32>
    %and3A_732 = arith.constant 128 : i32
    %and3A_733 = vector.broadcast %and3A_732 : i32 to vector<1024x128xi32>
    %and3A_734 = arith.andi %iota3A, %and3A_733 : vector<1024x128xi32>
    %eq3A_735 = arith.constant 0 : i32
    %eq3A_736 = vector.broadcast %eq3A_735 : i32 to vector<1024x128xi32>
    %eq3A_737 = arith.cmpi eq, %and3A_734, %eq3A_736 : vector<1024x128xi32>
    %not3A_738 = arith.constant dense<true> : vector<1024x128xi1>
    %not3A_739 = arith.xori %ne3A_724, %not3A_738 : vector<1024x128xi1>
    %eq3A_740 = arith.xori %eq3A_737, %not3A_739 : vector<1024x128xi1>
    %eq3A_741 = arith.constant dense<true> : vector<1024x128xi1>
    %eq3A_742 = arith.xori %eq3A_740, %eq3A_741 : vector<1024x128xi1>
    %le3A_743 = arith.cmpf ole, %select_n3A_718, %select_n3A_731 : vector<1024x128xf32>
    %eq3A_744 = arith.xori %le3A_743, %eq3A_742 : vector<1024x128xi1>
    %eq3A_745 = arith.constant dense<true> : vector<1024x128xi1>
    %eq3A_746 = arith.xori %eq3A_744, %eq3A_745 : vector<1024x128xi1>
    %select_n3A_747 = arith.select %eq3A_746, %select_n3A_718, %select_n3A_731 : vector<1024x128xi1>, vector<1024x128xf32>
    %and3A_748 = arith.constant 2 : i32
    %and3A_749 = vector.broadcast %and3A_748 : i32 to vector<1024x128xi32>
    %and3A_750 = arith.andi %iota3A, %and3A_749 : vector<1024x128xi32>
    %ne3A_751 = arith.constant 0 : i32
    %ne3A_752 = vector.broadcast %ne3A_751 : i32 to vector<1024x128xi32>
    %ne3A_753 = arith.cmpi ne, %and3A_750, %ne3A_752 : vector<1024x128xi32>
    %slice3A_754 = vector.extract_strided_slice %select_n3A_747 {offsets = [0, 126], sizes = [1024, 2], strides = [1, 1]} : vector<1024x128xf32> to vector<1024x2xf32>
    %slice3A_755 = vector.extract_strided_slice %select_n3A_747 {offsets = [0, 0], sizes = [1024, 126], strides = [1, 1]} : vector<1024x128xf32> to vector<1024x126xf32>
    %concatenate3A_756 = tpu.concatenate %slice3A_754, %slice3A_755 in 1 : vector<1024x2xf32>, vector<1024x126xf32> -> vector<1024x128xf32>
    %slice3A_757 = vector.extract_strided_slice %select_n3A_747 {offsets = [0, 2], sizes = [1024, 126], strides = [1, 1]} : vector<1024x128xf32> to vector<1024x126xf32>
    %slice3A_758 = vector.extract_strided_slice %select_n3A_747 {offsets = [0, 0], sizes = [1024, 2], strides = [1, 1]} : vector<1024x128xf32> to vector<1024x2xf32>
    %concatenate3A_759 = tpu.concatenate %slice3A_757, %slice3A_758 in 1 : vector<1024x126xf32>, vector<1024x2xf32> -> vector<1024x128xf32>
    %select_n3A_760 = arith.select %ne3A_753, %concatenate3A_756, %concatenate3A_759 : vector<1024x128xi1>, vector<1024x128xf32>
    %and3A_761 = arith.constant 128 : i32
    %and3A_762 = vector.broadcast %and3A_761 : i32 to vector<1024x128xi32>
    %and3A_763 = arith.andi %iota3A, %and3A_762 : vector<1024x128xi32>
    %eq3A_764 = arith.constant 0 : i32
    %eq3A_765 = vector.broadcast %eq3A_764 : i32 to vector<1024x128xi32>
    %eq3A_766 = arith.cmpi eq, %and3A_763, %eq3A_765 : vector<1024x128xi32>
    %not3A_767 = arith.constant dense<true> : vector<1024x128xi1>
    %not3A_768 = arith.xori %ne3A_753, %not3A_767 : vector<1024x128xi1>
    %eq3A_769 = arith.xori %eq3A_766, %not3A_768 : vector<1024x128xi1>
    %eq3A_770 = arith.constant dense<true> : vector<1024x128xi1>
    %eq3A_771 = arith.xori %eq3A_769, %eq3A_770 : vector<1024x128xi1>
    %le3A_772 = arith.cmpf ole, %select_n3A_747, %select_n3A_760 : vector<1024x128xf32>
    %eq3A_773 = arith.xori %le3A_772, %eq3A_771 : vector<1024x128xi1>
    %eq3A_774 = arith.constant dense<true> : vector<1024x128xi1>
    %eq3A_775 = arith.xori %eq3A_773, %eq3A_774 : vector<1024x128xi1>
    %select_n3A_776 = arith.select %eq3A_775, %select_n3A_747, %select_n3A_760 : vector<1024x128xi1>, vector<1024x128xf32>
    %and3A_777 = arith.constant 1 : i32
    %and3A_778 = vector.broadcast %and3A_777 : i32 to vector<1024x128xi32>
    %and3A_779 = arith.andi %iota3A, %and3A_778 : vector<1024x128xi32>
    %ne3A_780 = arith.constant 0 : i32
    %ne3A_781 = vector.broadcast %ne3A_780 : i32 to vector<1024x128xi32>
    %ne3A_782 = arith.cmpi ne, %and3A_779, %ne3A_781 : vector<1024x128xi32>
    %slice3A_783 = vector.extract_strided_slice %select_n3A_776 {offsets = [0, 127], sizes = [1024, 1], strides = [1, 1]} : vector<1024x128xf32> to vector<1024x1xf32>
    %slice3A_784 = vector.extract_strided_slice %select_n3A_776 {offsets = [0, 0], sizes = [1024, 127], strides = [1, 1]} : vector<1024x128xf32> to vector<1024x127xf32>
    %concatenate3A_785 = tpu.concatenate %slice3A_783, %slice3A_784 in 1 : vector<1024x1xf32>, vector<1024x127xf32> -> vector<1024x128xf32>
    %slice3A_786 = vector.extract_strided_slice %select_n3A_776 {offsets = [0, 1], sizes = [1024, 127], strides = [1, 1]} : vector<1024x128xf32> to vector<1024x127xf32>
    %slice3A_787 = vector.extract_strided_slice %select_n3A_776 {offsets = [0, 0], sizes = [1024, 1], strides = [1, 1]} : vector<1024x128xf32> to vector<1024x1xf32>
    %concatenate3A_788 = tpu.concatenate %slice3A_786, %slice3A_787 in 1 : vector<1024x127xf32>, vector<1024x1xf32> -> vector<1024x128xf32>
    %select_n3A_789 = arith.select %ne3A_782, %concatenate3A_785, %concatenate3A_788 : vector<1024x128xi1>, vector<1024x128xf32>
    %and3A_790 = arith.constant 128 : i32
    %and3A_791 = vector.broadcast %and3A_790 : i32 to vector<1024x128xi32>
    %and3A_792 = arith.andi %iota3A, %and3A_791 : vector<1024x128xi32>
    %eq3A_793 = arith.constant 0 : i32
    %eq3A_794 = vector.broadcast %eq3A_793 : i32 to vector<1024x128xi32>
    %eq3A_795 = arith.cmpi eq, %and3A_792, %eq3A_794 : vector<1024x128xi32>
    %not3A_796 = arith.constant dense<true> : vector<1024x128xi1>
    %not3A_797 = arith.xori %ne3A_782, %not3A_796 : vector<1024x128xi1>
    %eq3A_798 = arith.xori %eq3A_795, %not3A_797 : vector<1024x128xi1>
    %eq3A_799 = arith.constant dense<true> : vector<1024x128xi1>
    %eq3A_800 = arith.xori %eq3A_798, %eq3A_799 : vector<1024x128xi1>
    %le3A_801 = arith.cmpf ole, %select_n3A_776, %select_n3A_789 : vector<1024x128xf32>
    %eq3A_802 = arith.xori %le3A_801, %eq3A_800 : vector<1024x128xi1>
    %eq3A_803 = arith.constant dense<true> : vector<1024x128xi1>
    %eq3A_804 = arith.xori %eq3A_802, %eq3A_803 : vector<1024x128xi1>
    %select_n3A_805 = arith.select %eq3A_804, %select_n3A_776, %select_n3A_789 : vector<1024x128xi1>, vector<1024x128xf32>
    %swap3A = arith.constant 0 : index
    %swap3A_806 = arith.constant 0 : index
    %swap3A_807 = vector.load %arg1[%swap3A, %swap3A_806] : memref<1024x128xf32, #tpu.memory_space<vmem>>, vector<1024x128xf32>
    tpu.vector_store %arg1[%swap3A, %swap3A_806], %select_n3A_805 {strides = array<i32>} : memref<1024x128xf32, #tpu.memory_space<vmem>>, vector<1024x128xf32>,
    return
  }
}

</mosaic_0001>

<sc_bundles>
// kernel: kernel.6.cloned.1.call-start
scs
__scs_entry_jumppad:
0x0: {  	(pc) =	sbr.rel $0x88, $3  }
0x1: {  	(tag) =	ssettag $0x0;
	lr =	simm.s32 $0x1  }
0x2: {  	[smem:$0x3FA0] =	sst lr;
	_ =	strace $0xD0000000  }
0x3: {  	_ = 	snop  }
0x4: {  	_ = 	snop  }
0x5: {  	_ = 	snop  }
0x6: {  	_ = 	snop  }
0x7: {  	_ = 	snop  }
__scs_overlays_trampoline_lowered:
0x8: {  	[smem:$0x3FAF] =	sst s0  }
0x9: {  	[smem:$0x3FB0] =	sst s1  }
0xa: {  	[smem:$0x3FB1] =	sst s2  }
0xb: {  	[smem:$0x3FB2] =	sst s3  }
0xc: {  	[smem:$0x3FB3] =	sst s4  }
0xd: {  	[smem:$0x3FB4] =	sst s5  }
0xe: {  	[smem:$0x3FB5] =	sst s6  }
0xf: {  	[smem:$0x3FB6] =	sst s7  }
0x10: {  	[smem:$0x3FB7] =	sst s8  }
0x11: {  	[smem:$0x3FB8] =	sst s9;
	s0 =	simm.s32 @!p0 $0x0  }
0x12: {  	s1 =	sld [smem:$0x3F9E];
	s0 =	simm.s32 @p0 $0x1  }
0x13: {  	[smem:$0x3FB9] =	sst s0;
	s0 =	simm.s32 @!p1 $0x0  }
0x14: {  	s2 =	sld [smem:$0x3F9D];
	s0 =	simm.s32 @p1 $0x1  }
0x15: {  	[smem:$0x3FBA] =	sst s0;
	s0 =	simm.s32 @!p2 $0x0  }
0x16: {  	s3 =	sld [smem:$0x3FDB];
	s0 =	simm.s32 @p2 $0x1  }
0x17: {  	s4 =	simm.s32 $0x1BF5;
	[smem:$0x3FBC] =	sst s0  }
0x18: {  	s0 =	sld [smem:$0x3F9F];
	_ =	swait.ge [sflag:s4], $0x0  }
0x19: {  	s7 =	sld [smem:$0x3FA0]  }
0x1a: {  	s8 =	sadd.s32 $0xFFFFE003, lr  }
0x1b: {  	s9 =	sadd.s32 $0xFFFFFEF7, lr;
	s5 =	simm.s32 $0xFFFFFFFF;
	p2 =	slt.u32 s8, $0xFFFFF086  }
0x1c: {  	p1 =	slt.u32 s9, $0xF7A;
	s5 =	simm.s32 @!p2 $0x0  }
0x1d: {  	s5 =	simm.s32 @p1 $0x1;
	p0 =	seq.s32 s7, s2  }
0x1e: {  	s7 =	smul.u32 @!p0 $0xF7A, s2;
	p2 =	seq.s32 @!p0 s5, $0x0  }
0x1f: {  	s9 =	smul.u32 $0xF7A, s1;
	s8 =	simm.s32 @!p0 $0x1BF5;
	p2 =	por !p2, p0  }
0x20: {  	[sflag:s8] =	ssyncset.s32 @!p0 $0xFFFFF086;
	s6 =	sadd.s32 @!p0 s3, s7;
	s7 =	simm.s32 @!p0 $0x108  }
0x21: {  	s3 =	sadd.s32 s3, s9;
	s6 =	sadd.s32 @!p0 $0x88, s6;
	s7 =	simm.s32 @p2 $0x1082  }
0x22: {  	[simem:s7], [sflag:s8] =	dma.local @!p0 [hbm:s6], $0xF7A  }
0x23: {  	s9 =	sor.u32 $0xD0000000, s2;
	s6 =	simm.s32 $0x108;
	_ =	swait.ge @!p0 [sflag:s8], $0x0  }
0x24: {  	s3 =	sadd.s32 $0x88, s3;
	s6 =	simm.s32 @!p1 $0x1082;
	[sflag:s4] =	ssyncset.s32 $0xFFFFF086  }
0x25: {  	[simem:s6], [sflag:s4] =	dma.local [hbm:s3], $0xF7A  }
0x26: {  	[smem:$0x3FA0] =	sst s1;
	(tag) =	ssettag s2;
	_ =	strace s9  }
0x27: {  	s1 =	sld [smem:$0x3FB0]  }
0x28: {  	s2 =	sld [smem:$0x3FB1]  }
0x29: {  	s4 =	sld [smem:$0x3FB3]  }
0x2a: {  	p0 =	seq.s32 s5, $0x0;
	s5 =	sld [smem:$0x3FB4]  }
0x2b: {  	s6 =	sld [smem:$0x3FB5]  }
0x2c: {  	s7 =	sld [smem:$0x3FB6]  }
0x2d: {  	s3 =	simm.s32 $0x108;
	s8 =	sld [smem:$0x3FB7]  }
0x2e: {  	s3 =	simm.s32 @!p0 $0x1082;
	s9 =	sld [smem:$0x3FB8]  }
0x2f: {  	lr =	sadd.s32 s0, s3;
	s0 =	sld [smem:$0x3FAF]  }
0x30: {  	s3 =	sld [smem:$0x3FB2]  }
0x31: {  	[smem:$0x3FBB] =	sst s10  }
0x32: {  	s10 =	sld [smem:$0x3FB9];
	_ =	sdelay $0x3  }
0x33: {  	p0 =	seq.s32 s10, $0x1;
	s10 =	sld [smem:$0x3FBB];
	_ =	sdelay $0x3  }
0x34: {  	[smem:$0x3FBB] =	sst s10  }
0x35: {  	s10 =	sld [smem:$0x3FBA];
	_ =	sdelay $0x3  }
0x36: {  	p1 =	seq.s32 s10, $0x1;
	s10 =	sld [smem:$0x3FBB];
	_ =	sdelay $0x3  }
0x37: {  	[smem:$0x3FBB] =	sst s10  }
0x38: {  	s10 =	sld [smem:$0x3FBC]  }
0x39: {  	_ = 	snop;
	(pc) =	sbr.ind lr, $3  }
0x3a: {  	_ = 	snop  }
0x3b: {  	_ = 	snop  }
0x3c: {  	p2 =	seq.s32 s10, $0x1;
	s10 =	sld [smem:$0x3FBB]  }
0x3d: {  	_ =	shalt  }
0x3e: {  	_ =	shalt  }
0x3f: {  	_ =	shalt  }
0x40: {  	_ =	shalt  }
0x41: {  	_ =	shalt  }
0x42: {  	_ =	shalt  }
0x43: {  	_ =	shalt  }
0x44: {  	_ =	shalt  }
0x45: {  	_ =	shalt  }
0x46: {  	_ =	shalt  }
0x47: {  	_ =	shalt  }
0x48: {  	_ =	shalt  }
0x49: {  	_ =	shalt  }
0x4a: {  	_ =	shalt  }
0x4b: {  	_ =	shalt  }
0x4c: {  	_ =	shalt  }
0x4d: {  	_ =	shalt  }
0x4e: {  	_ =	shalt  }
0x4f: {  	_ =	shalt  }
0x50: {  	_ =	shalt  }
0x51: {  	_ =	shalt  }
0x52: {  	_ =	shalt  }
0x53: {  	_ =	shalt  }
0x54: {  	_ =	shalt  }
0x55: {  	_ =	shalt  }
0x56: {  	_ =	shalt  }
0x57: {  	_ =	shalt  }
0x58: {  	_ =	shalt  }
0x59: {  	_ =	shalt  }
0x5a: {  	_ =	shalt  }
0x5b: {  	_ =	shalt  }
0x5c: {  	_ =	shalt  }
0x5d: {  	_ =	shalt  }
0x5e: {  	_ =	shalt  }
0x5f: {  	_ =	shalt  }
0x60: {  	_ =	shalt  }
0x61: {  	_ =	shalt  }
0x62: {  	_ =	shalt  }
0x63: {  	_ =	shalt  }
0x64: {  	_ =	shalt  }
0x65: {  	_ =	shalt  }
0x66: {  	_ =	shalt  }
0x67: {  	_ =	shalt  }
0x68: {  	_ =	shalt  }
0x69: {  	_ =	shalt  }
0x6a: {  	_ =	shalt  }
0x6b: {  	_ =	shalt  }
0x6c: {  	_ =	shalt  }
0x6d: {  	_ =	shalt  }
0x6e: {  	_ =	shalt  }
0x6f: {  	_ =	shalt  }
0x70: {  	_ =	shalt  }
0x71: {  	_ =	shalt  }
0x72: {  	_ =	shalt  }
0x73: {  	_ =	shalt  }
0x74: {  	_ =	shalt  }
0x75: {  	_ =	shalt  }
0x76: {  	_ =	shalt  }
0x77: {  	_ =	shalt  }
0x78: {  	_ =	shalt  }
0x79: {  	_ =	shalt  }
0x7a: {  	_ =	shalt  }
0x7b: {  	_ =	shalt  }
0x7c: {  	_ =	shalt  }
0x7d: {  	_ =	shalt  }
0x7e: {  	_ =	shalt  }
0x7f: {  	_ =	shalt  }
0x80: {  	_ =	shalt  }
0x81: {  	_ =	shalt  }
0x82: {  	_ =	shalt  }
0x83: {  	_ =	shalt  }
0x84: {  	_ =	shalt  }
0x85: {  	_ =	shalt  }
0x86: {  	_ =	shalt  }
0x87: {  	_ =	shalt  }
.Lfunc_end0:
.L_simem_size_0:
called_computation_lowered:
.L_overlay_start_0:
0x88: {  	s2 =	sld [smem:$0x3FD9]  }
0x89: {  	s3 =	sld [smem:$0x3FFE];
	_ =	sdelay $0x1  }
0x8a: {  	s1 =	srdreg.scid  }
0x8b: {  	s0 =	sand.u32 $0x1, s1  }
0x8c: {  	s17 =	sshll.u32 s0, $0xA;
	s2 =	sadd.s32 s3, s2  }
0x8d: {  	s2 =	sadd.s32 s2, s17  }
0x8e: {  	[smem:$0x3FC7] =	sst s2  }
0x8f: {  	_ = 	snop  }
0x90: {  	s2 =	sld [smem:$0x3FC9]  }
0x91: {  	s18 =	sld [smem:$0x3FD0];
	(tm) =	ssettm $0x1  }
0x92: {  	s4 =	sld [smem:$0x3FFB];
	_ =	sdelay $0x3  }
0x93: {  	_ =	strace s4  }
0x94: {  	s4 =	sld [smem:$0x3FFC];
	_ =	sdelay $0x3  }
0x95: {  	_ =	strace s4  }
0x96: {  	s4 =	sld [smem:$0x3FFD];
	_ =	sdelay $0x3  }
0x97: {  	_ =	strace s4  }
0x98: {  	_ =	strace $0x8FFFFFFF  }
0x99: {  	s19 =	sld [smem:$0x3FDB];
	_ =	sdelay $0x1  }
0x9a: {  	s5 =	simm.s32 $_scs_section_size  }
0x9b: {  	s6 =	simm.s32 $_size__tile_overlayer_lowered;
	s7 =	simm.s32 $_tile_overlayer_lowered  }
0x9c: {  	s22 =	simm.s32 $0x1BFF;
	s21 =	sshll.u32 s7, $0x1;
	s4 =	sadd.s32 s5, s19  }
0x9d: {  	s8 =	simm.s32 $0x0;
	s20 =	sshll.u32 s6, $0x1;
	s6 =	sadd.s32 s21, s4  }
0x9e: {  	[timem:s8], [sflag:s22] =	dma.local [hbm:s6], s20  }
0x9f: {  	_ =	swait.ge [sflag:s22], s20  }
0xa0: {  	s5 =	ssub.s32 $0x0, s20;
	[sflag:s22] =	ssyncset.done $0x0  }
0xa1: {  	[sflag:s22] =	ssyncadd.s32 s5;
	_ =	sdelay $0x1  }
0xa2: {  	s23 =	simm.s32 $0x1B8B  }
0xa3: {  	_ =	swait.ge [sflag:s23], $0x1  }
0xa4: {  	[sflag:s23] =	ssyncset.done $0x0  }
0xa5: {  	s25 =	simm.s32 $0x1B8E;
	s24 =	sld [smem:$0x3FFE];
	[sflag:s23] =	ssyncadd.s32 $0xFFFFFFFF  }
0xa6: {  	s26 =	simm.s32 $execute0_lowered;
	[smem:$0x3FD2] =	sst s25  }
0xa7: {  	s6 =	sshll.u32 s26, $0x1;
	_ =	strace $0x80000046;
	[dreg:$0x1] =	wrdreg $0xFFFFFFFF  }
0xa8: {  	s28 =	simm.s32 $_size_execute0_lowered;
	s4 =	sadd.s32 s4, s6;
	[dreg:$0x0] =	wrdreg $0x0  }
0xa9: {  	s6 =	sshll.u32 s28, $0x1;
	[dreg:$0x2] =	wrdreg s4  }
0xaa: {  	[dreg:$0x3] =	wrdreg s6  }
0xab: {  	[dreg:$0x4] =	wrdreg $0xC0  }
0xac: {  	_ =	task [dreg:s8], $0x5FFFF  }
0xad: {  	[dreg:$0x1] =	wrdreg $0xFFFFFFFF  }
0xae: {  	[dreg:$0x0] =	wrdreg $0x60  }
0xaf: {  	[dreg:$0x2] =	wrdreg s2  }
0xb0: {  	[dreg:$0x3] =	wrdreg s24  }
0xb1: {  	[dreg:$0x4] =	wrdreg s18  }
0xb2: {  	[dreg:$0x5] =	wrdreg $0x9  }
0xb3: {  	_ =	task.clear_ibuf [dreg:s8], $0x6FFFF;
	_ =	strace $0x90000046  }
0xb4: {  	s29 =	simm.s32 $0x9;
	_ =	strace $0x80000048  }
0xb5: {  	_ =	swait.ge [sflag:s29], $0x1  }
0xb6: {  	[sflag:s29] =	ssyncadd.s32 $0xFFFFFFFF  }
0xb7: {  	_ =	strace $0x90000048  }
0xb8: {  	_ =	sfence  }
0xb9: {  	s30 =	sld [smem:$0x0];
	_ =	sdelay $0x2  }
0xba: {  	s31 =	sshll.u32 s1, $0xD;
	s1 =	sshrl.u32 s1, $0x2  }
0xbb: {  	s3 =	sand.u32 $0x4000, s31;
	s1 =	sadd.s32 s1, s30  }
0xbc: {  	s0 =	sor.u32 s3, s0;
	s1 =	sshll.u32 s1, $0x11  }
0xbd: {  	s0 =	sor.u32 s1, s0  }
0xbe: {  	s0 =	sadd.s32 $0x8F2B, s0  }
0xbf: {  	[sflag:s0] =	ssyncadd.remote.s32 $0x1  }
0xc0: {  	_ =	sfence.sel $0xFFFF  }
0xc1: {  	[dreg:$0x0] =	wrdreg $0xFFFFFFFF;
	(pc) =	sbr.abs _section_cstart, $3  }
0xc2: {  	[dreg:$0x1] =	wrdreg $0xFFFFFFFF  }
0xc3: {  	_ =	task.clear_ibuf [dreg:s8], $0x2FFFF;
	_ =	strace $0x9FFFFFFF  }
0xc4: {  	(tm) =	ssettm $0x7FFFFFFF  }
0xc5: {  	_ =	shalt  }
tec
execute0_lowered:
.L_overlay_start_1:
0x0: {  	(tag) =	ssettag $0x1  }
0x1: {  	s2 =	srdreg.scid  }
0x2: {  	s1 =	rddreg [dreg:$0x0];
	s0 =	stileid.u32;
	s6 =	sand.u32 $0x1, s2  }
0x3: {  	s4 =	rddreg [dreg:$0x1];
	s30 =	sshll.u32 s0, $0x6;
	s3 =	sshll.u32 s6, $0x5  }
0x4: {  	s9 =	rddreg [dreg:$0x2];
	s10 =	sor.u32 s3, s30  }
0x5: {  	s2 =	rddreg [dreg:$0x3];
	s3 =	simm.s32 $0x0;
	s5 =	sshrl.u32 s10, $0x3  }
0x6: {  	s11 =	ssub.s32 $0x2, s6;
	[smem:$0x7FF] =	sst s3;
	s4 =	sadd.s32 s5, s4  }
0x7: {  	_ =	strace $0x80000047;
	s5 =	sadd.s32 $0x600, s4;
	s4 =	simm.s32 $0x2  }
0x8: {  	[tilespmem:s3], [sflag:$0x2] =	stream.linear.gather [hbm4b:s5+s3], $0x20, $0x38;
	[tilespmem:$0x1080] =	vst v63  }
0x9: {  	s7 =	simm.s32 $0x80;
	s12 =	sshrl.u32 s11, $0x1;
	_ =	swait.ge [sflag:s4], $0x20  }
0xa: {  	s8 =	simm.s32 $0x1;
	s11 =	ssub.s32 s11, s12;
	[sflag:s4] =	ssyncset.done $0x0  }
0xb: {  	s6 =	simm.s32 $0x20;
	s31 =	smax.u32 s11, $0x1;
	[sflag:s4] =	ssyncadd.s32 $0xFFFFFFE0  }
0xc: {  	[tilespmem:s7], [sflag:$0x1] =	stream.indirect.gather [hbm4b:s1+s6], $0x80, s3, s6, $0xb8;
	[tilespmem:$0x1080] =	vst v63  }
0xd: {  	p0 =	sne.s32 s31, $0x1;
	_ =	swait.ge [sflag:s8], $0x1000  }
.Ltmp0:
0xe: {  	s10 =	sshll.u32 s10, $0x4;
	[sflag:s8] =	ssyncset.done $0x0;
	(pc) =	sbr.rel @!p0 .LBB2_2-.Ltmp0, $4  }
0xf: {  	s9 =	sadd.s32 s9, s10;
	[sflag:s8] =	ssyncadd.s32 $0xFFFFF000  }
0x10: {  	[hbm4b:s9+s3] =	stream.linear.scatter [tilespmem:s7], [sflag:$0x2], $0x1000, $0x38;
	[tilespmem:$0x1080] =	vst v63  }
0x11: {  	_ =	swait.ge [sflag:s4], $0x1000  }
0x12: {  	s10 =	sadd.s32 $0xFFFFFFFF, s31;
	[sflag:s4] =	ssyncset.done $0x0  }
.LBB2_1:
0x13: {  	p0 =	sne.s32 s10, $0x1;
	s10 =	sadd.s32 $0xFFFFFFFF, s10;
	[sflag:s4] =	ssyncadd.s32 $0xFFFFF000  }
0x14: {  	[tilespmem:s3], [sflag:$0x2] =	stream.linear.gather [hbm4b:s5+s3], $0x20, $0x38;
	[tilespmem:$0x1080] =	vst v63  }
0x15: {  	_ =	swait.ge [sflag:s4], $0x20  }
0x16: {  	[sflag:s4] =	ssyncset.done $0x0  }
0x17: {  	[sflag:s4] =	ssyncadd.s32 $0xFFFFFFE0  }
0x18: {  	[tilespmem:s7], [sflag:$0x1] =	stream.indirect.gather [hbm4b:s1+s6], $0x80, s3, s6, $0xb8;
	[tilespmem:$0x1080] =	vst v63  }
0x19: {  	_ =	swait.ge [sflag:s8], $0x1000  }
.Ltmp1:
0x1a: {  	[sflag:s8] =	ssyncset.done $0x0;
	(pc) =	sbr.rel @p0 .LBB2_1-.Ltmp1, $4  }
0x1b: {  	[sflag:s8] =	ssyncadd.s32 $0xFFFFF000  }
0x1c: {  	[hbm4b:s9+s3] =	stream.linear.scatter [tilespmem:s7], [sflag:$0x2], $0x1000, $0x38;
	[tilespmem:$0x1080] =	vst v63  }
0x1d: {  	_ =	swait.ge [sflag:s4], $0x1000  }
0x1e: {  	[sflag:s4] =	ssyncset.done $0x0  }
.LBB2_2:
0x1f: {  	[sflag:s4] =	ssyncadd.s32 $0xFFFFF000  }
0x20: {  	_ =	sfence.sel $0x180000  }
0x21: {  	[bflag:$0x0] =	sbarrier.arrive $0xFFFF  }
0x22: {  	p0 =	sne.s32 s0, $0x0;
	_ =	strace $0x90000047  }
0x23: {  	s0 =	sadd.s32 @!p0 $0x100000, s2;
	[bflag:$0x2] =	sbarrier.arrive $0xFFFF  }
0x24: {  	[sflag:s0] =	ssyncadd.tile.s32 @!p0 $0x1;
	_ =	shalt  }
.Lfunc_end2:
_tile_overlayer_lowered:
.L_overlay_start_2:
0x25: {  	(tag) =	ssettag $0x2  }
0x26: {  	s0 =	rddreg [dreg:$0x0];
	s2 =	stileid.u32  }
0x27: {  	s1 =	rddreg [dreg:$0x1];
	p0 =	sne.s32 s2, $0x0  }
0x28: {  	s3 =	rddreg [dreg:$0x2];
	[bflag:$0x3] =	sbarrier.arrive $0xFFFF;
	s2 =	simm.s32 @!p0 $0x1C02  }
0x29: {  	[timem:s3], [sflag:s2] =	dma.local @!p0 [hbm:s0], s1  }
0x2a: {  	s0 =	simm.s32 @!p0 $0x2  }
0x2b: {  	_ =	swait.ge @!p0 [sflag:s0], s1  }
0x2c: {  	s1 =	ssub.s32 @!p0 $0x0, s1;
	[sflag:s0] =	ssyncset.done @!p0 $0x0  }
0x2d: {  	[sflag:s0] =	ssyncadd.s32 @!p0 s1  }
0x2e: {  	[bflag:$0x3] =	sbarrier.arrive $0xFFFF  }
0x2f: {  	_ =	shalt  }

</sc_bundles>
